<compile_context>
chip_gen: v7x
topology: tpu7x:2x2x1
jax: 0.10.2.dev20260603
libtpu: 0.0.44.dev20260713+nightly
codegen_flags: <defaults>
</compile_context>

<pallas_src>
import functools

import jax
import jax.numpy as jnp
from jax import lax
from jax.experimental import pallas as pl
from jax.experimental.pallas import tpu as pltpu
from jax.experimental.pallas import tpu_sc as plsc

EMBED = 256
BATCH = 16384
NC, NS = 2, 16
NW = NC * NS
ROWS_PER_W = BATCH // NW
CHUNK = 128
NCHUNK = ROWS_PER_W // CHUNK
NBUF = 2


def _gather_body(idx_hbm, table_hbm, out_hbm, idx_v, rows0, rows1, g0, g1, w0, w1):
    wid = lax.axis_index("s") * NC + lax.axis_index("c")
    base = wid * ROWS_PER_W
    pltpu.sync_copy(idx_hbm.at[wid], idx_v)
    bufs = (rows0, rows1)
    gsems = (g0, g1)
    wsems = (w0, w1)
    NSTEP = NCHUNK * 2
    gh = [None] * NSTEP
    wh = [None] * NSTEP

    def dst(s):
        c, h = divmod(s, 2)
        return out_hbm.at[pl.ds(base + c * CHUNK, CHUNK), pl.ds(h * EMBED, EMBED)]

    def start_gather(s):
        c, h = divmod(s, 2)
        gh[s] = pltpu.async_copy(table_hbm.at[idx_v.at[c, h]], bufs[s % NBUF], gsems[s % NBUF])

    start_gather(0)
    for s in range(NSTEP):
        b = s % NBUF
        if s + 1 < NSTEP:
            if s + 1 >= NBUF:
                wh[s + 1 - NBUF].wait()
            start_gather(s + 1)
        gh[s].wait()
        wh[s] = pltpu.async_copy(bufs[b], dst(s), wsems[b])
    for s in range(NSTEP - NBUF, NSTEP):
        wh[s].wait()


_gather_cat = functools.partial(
    pl.kernel,
    out_type=jax.ShapeDtypeStruct((BATCH, 2 * EMBED), jnp.float32),
    mesh=plsc.VectorSubcoreMesh(core_axis_name="c", subcore_axis_name="s"),
    scratch_types=[
        pltpu.VMEM((NCHUNK, 2, CHUNK), jnp.int32),
        pltpu.VMEM((CHUNK, EMBED), jnp.float32),
        pltpu.VMEM((CHUNK, EMBED), jnp.float32),
        pltpu.SemaphoreType.DMA,
        pltpu.SemaphoreType.DMA,
        pltpu.SemaphoreType.DMA,
        pltpu.SemaphoreType.DMA,
    ],
)(_gather_body)


BLK = 2048


def _mlp_body(x_ref, w1_ref, b1_ref, w2_ref, b2_ref, w3_ref, b3_ref, o_ref):
    x = x_ref[...]
    h = jnp.dot(x, w1_ref[...], preferred_element_type=jnp.float32) + b1_ref[...]
    h = jnp.maximum(h, 0.0)
    h = jnp.dot(h, w2_ref[...], preferred_element_type=jnp.float32) + b2_ref[...]
    h = jnp.maximum(h, 0.0)
    o_ref[...] = jnp.dot(h, w3_ref[...], preferred_element_type=jnp.float32) + b3_ref[...]


def _mlp(x, W1, b1, W2, b2, W3, b3):
    grid = (BATCH // BLK,)
    full = lambda shape: pl.BlockSpec(shape, lambda i: (0, 0))
    return pl.pallas_call(
        _mlp_body,
        grid=grid,
        in_specs=[
            pl.BlockSpec((BLK, 512), lambda i: (i, 0)),
            full((512, 64)),
            full((1, 64)),
            full((64, 64)),
            full((1, 64)),
            full((64, 64)),
            full((1, 64)),
        ],
        out_specs=pl.BlockSpec((BLK, 64), lambda i: (i, 0)),
        out_shape=jax.ShapeDtypeStruct((BATCH, 64), jnp.float32),
    )(x, W1, b1, W2, b2, W3, b3)


def kernel(state, table, W1, b1, W2, b2, W3, b3):
    idx = state.reshape(NW, NCHUNK, CHUNK, 2).transpose(0, 1, 3, 2)
    x = _gather_cat(idx, table)
    return _mlp(x, W1, b1.reshape(1, 64), W2, b2.reshape(1, 64), W3, b3.reshape(1, 64))

# --- scband reference (transcript-rebuilt; emitter-appended) ---
"""Pipeline reference for scband-dqn-35948876268147 (READ-ONLY COPY).

The authoritative reference and input builder live on the scoring server;
editing this copy changes nothing except your own understanding.
"""

import jax, jax.numpy as jnp
import numpy as np

STATE_DIM = 1000000
ACTION_DIM = 64
EMBED_DIM = 256
BATCH = 16384


def setup_inputs(seed: int = 0) -> dict:
    key = jax.random.key(seed)
    ks = jax.random.split(key, 8)
    state = jax.random.randint(ks[0], (BATCH, 2), 0, STATE_DIM, dtype=jnp.int64 if jax.config.jax_enable_x64 else jnp.int32).astype(jnp.int32)
    table = jax.random.normal(ks[1], (STATE_DIM, EMBED_DIM), dtype=jnp.float32) * 0.02
    W1 = jax.random.normal(ks[2], (512, 64), dtype=jnp.float32) * (1.0 / np.sqrt(512))
    b1 = jnp.zeros((64,), dtype=jnp.float32)
    W2 = jax.random.normal(ks[3], (64, 64), dtype=jnp.float32) * (1.0 / np.sqrt(64))
    b2 = jnp.zeros((64,), dtype=jnp.float32)
    W3 = jax.random.normal(ks[4], (64, ACTION_DIM), dtype=jnp.float32) * (1.0 / np.sqrt(64))
    b3 = jnp.zeros((ACTION_DIM,), dtype=jnp.float32)
    return {"state": state, "table": table, "W1": W1, "b1": b1, "W2": W2, "b2": b2, "W3": W3, "b3": b3}


def reference(state, table, W1, b1, W2, b2, W3, b3):
    x1 = jnp.take(table, state[:, 0], axis=0)
    x2 = jnp.take(table, state[:, 1], axis=0)
    x = jnp.concatenate([x1, x2], axis=-1)
    x = jax.nn.relu(x @ W1 + b1)
    x = jax.nn.relu(x @ W2 + b2)
    return x @ W3 + b3

if __name__ == "__main__":
    import jax
    _d = setup_inputs()
    print(jax.jit(kernel)(*tuple(_d.values())))

</pallas_src>

<mosaic_0001>
#map = affine_map<(d0, d1) -> (0, 0, 0, 0)>
#map1 = affine_map<(d0, d1) -> (0, 0)>
module attributes {stable_mosaic.version = 14 : i64} {
  func.func @_gather_body(%arg0: i32, %arg1: i32, %arg2: memref<32x4x2x128xi32, #tpu.memory_space<hbm>>, %arg3: memref<1000000x256xf32, #tpu.memory_space<hbm>>, %arg4: memref<16384x512xf32, #tpu.memory_space<hbm>>, %arg5: memref<4x2x128xi32, #tpu.memory_space<vmem>>, %arg6: memref<128x256xf32, #tpu.memory_space<vmem>>, %arg7: memref<128x256xf32, #tpu.memory_space<vmem>>, %arg8: memref<!tpu.dma_semaphore, #tpu.memory_space<semaphore_mem>>, %arg9: memref<!tpu.dma_semaphore, #tpu.memory_space<semaphore_mem>>, %arg10: memref<!tpu.dma_semaphore, #tpu.memory_space<semaphore_mem>>, %arg11: memref<!tpu.dma_semaphore, #tpu.memory_space<semaphore_mem>>) attributes {dimension_semantics = [#tpu.dimension_semantics<core_parallel>, #tpu.dimension_semantics<subcore_parallel>], iteration_bounds = array<i64: 2, 16>, scalar_prefetch = 0 : i64, scratch_operands = 7 : i64, tpu.core_type = #tpu.core_type<sc_vector_subcore>, window_params = [{transform_indices = #map}, {transform_indices = #map1}, {transform_indices = #map1}]} {
    %mul3A = arith.constant 2 : i32
    %mul3A_0 = arith.muli %arg1, %mul3A : i32
    %add3A = arith.addi %mul3A_0, %arg0 : i32
    %mul3A_1 = arith.constant 512 : i32
    %mul3A_2 = arith.muli %add3A, %mul3A_1 : i32
    "tpu.region"() ({
      %run_scoped3A = tpu.sem_alloc : memref<!tpu.dma_semaphore, #tpu.memory_space<semaphore_mem>>
      %dma_start3A_209 = arith.constant 0 : i32
      %dma_start3A_210 = arith.constant 0 : i32
      %dma_start3A_211 = arith.constant 0 : i32
      %dma_start3A_212 = tpu.memref_slice %arg2[%add3A, %dma_start3A_209, %dma_start3A_210, %dma_start3A_211] : memref<32x4x2x128xi32, #tpu.memory_space<hbm>> -> memref<1x4x2x128xi32, #tpu.memory_space<hbm>>
      %dma_start3A_213 = tpu.memref_squeeze %dma_start3A_212 : memref<1x4x2x128xi32, #tpu.memory_space<hbm>> -> memref<4x2x128xi32, #tpu.memory_space<hbm>>
      %dma_start3A_214 = arith.constant 0 : i32
      %dma_start3A_215 = arith.constant 0 : i32
      %dma_start3A_216 = arith.constant 0 : i32
      %dma_start3A_217 = tpu.memref_slice %arg2[%add3A, %dma_start3A_214, %dma_start3A_215, %dma_start3A_216] : memref<32x4x2x128xi32, #tpu.memory_space<hbm>> -> memref<1x4x2x128xi32, #tpu.memory_space<hbm>>
      %dma_start3A_218 = tpu.memref_squeeze %dma_start3A_217 : memref<1x4x2x128xi32, #tpu.memory_space<hbm>> -> memref<4x2x128xi32, #tpu.memory_space<hbm>>
      tpu.enqueue_dma source(%dma_start3A_218 : memref<4x2x128xi32, #tpu.memory_space<hbm>>) target(%arg5 : memref<4x2x128xi32, #tpu.memory_space<vmem>>) target_semaphore(%run_scoped3A : memref<!tpu.dma_semaphore, #tpu.memory_space<semaphore_mem>>)
      %dma_wait3A_219 = arith.constant 0 : i32
      %dma_wait3A_220 = arith.constant 0 : i32
      %dma_wait3A_221 = arith.constant 0 : i32
      %dma_wait3A_222 = tpu.memref_slice %arg2[%add3A, %dma_wait3A_219, %dma_wait3A_220, %dma_wait3A_221] : memref<32x4x2x128xi32, #tpu.memory_space<hbm>> -> memref<1x4x2x128xi32, #tpu.memory_space<hbm>>
      %dma_wait3A_223 = tpu.memref_squeeze %dma_wait3A_222 : memref<1x4x2x128xi32, #tpu.memory_space<hbm>> -> memref<4x2x128xi32, #tpu.memory_space<hbm>>
      %dma_wait3A_224 = arith.constant 0 : i32
      %dma_wait3A_225 = arith.constant 0 : i32
      %dma_wait3A_226 = arith.constant 0 : i32
      %dma_wait3A_227 = tpu.memref_slice %arg2[%add3A, %dma_wait3A_224, %dma_wait3A_225, %dma_wait3A_226] : memref<32x4x2x128xi32, #tpu.memory_space<hbm>> -> memref<1x4x2x128xi32, #tpu.memory_space<hbm>>
      %dma_wait3A_228 = tpu.memref_squeeze %dma_wait3A_227 : memref<1x4x2x128xi32, #tpu.memory_space<hbm>> -> memref<4x2x128xi32, #tpu.memory_space<hbm>>
      tpu.wait_dma2 semaphore(%run_scoped3A : memref<!tpu.dma_semaphore, #tpu.memory_space<semaphore_mem>>) src(%dma_wait3A_228 : memref<4x2x128xi32, #tpu.memory_space<hbm>>) dst(%arg5 : memref<4x2x128xi32, #tpu.memory_space<vmem>>)
      tpu.yield
    }) : () -> ()
    %dma_start3A = arith.constant 0 : i32
    %dma_start3A_3 = arith.constant 0 : i32
    %dma_start3A_4 = arith.constant 0 : i32
    %dma_start3A_5 = tpu.memref_slice %arg5[%dma_start3A, %dma_start3A_3, %dma_start3A_4] : memref<4x2x128xi32, #tpu.memory_space<vmem>> -> memref<1x1x128xi32, #tpu.memory_space<vmem>>
    %dma_start3A_6 = tpu.memref_squeeze %dma_start3A_5 : memref<1x1x128xi32, #tpu.memory_space<vmem>> -> memref<128xi32, #tpu.memory_space<vmem>>
    %dma_start3A_7 = arith.constant 0 : i32
    %dma_start3A_8 = arith.constant 0 : i32
    %dma_start3A_9 = tpu.memref_slice %arg3[%dma_start3A_7, %dma_start3A_8] : memref<1000000x256xf32, #tpu.memory_space<hbm>> -> memref<1000000x256xf32, #tpu.memory_space<hbm>>
    tpu.enqueue_indirect_dma source(%dma_start3A_9 : memref<1000000x256xf32, #tpu.memory_space<hbm>>) target(%arg6 : memref<128x256xf32, #tpu.memory_space<vmem>>) offsets(%dma_start3A_6 : memref<128xi32, #tpu.memory_space<vmem>>) semaphore(%arg8 : memref<!tpu.dma_semaphore, #tpu.memory_space<semaphore_mem>>)
    %dma_start3A_10 = arith.constant 0 : i32
    %dma_start3A_11 = arith.constant 1 : i32
    %dma_start3A_12 = arith.constant 0 : i32
    %dma_start3A_13 = tpu.memref_slice %arg5[%dma_start3A_10, %dma_start3A_11, %dma_start3A_12] : memref<4x2x128xi32, #tpu.memory_space<vmem>> -> memref<1x1x128xi32, #tpu.memory_space<vmem>>
    %dma_start3A_14 = tpu.memref_squeeze %dma_start3A_13 : memref<1x1x128xi32, #tpu.memory_space<vmem>> -> memref<128xi32, #tpu.memory_space<vmem>>
    %dma_start3A_15 = arith.constant 0 : i32
    %dma_start3A_16 = arith.constant 0 : i32
    %dma_start3A_17 = tpu.memref_slice %arg3[%dma_start3A_15, %dma_start3A_16] : memref<1000000x256xf32, #tpu.memory_space<hbm>> -> memref<1000000x256xf32, #tpu.memory_space<hbm>>
    tpu.enqueue_indirect_dma source(%dma_start3A_17 : memref<1000000x256xf32, #tpu.memory_space<hbm>>) target(%arg7 : memref<128x256xf32, #tpu.memory_space<vmem>>) offsets(%dma_start3A_14 : memref<128xi32, #tpu.memory_space<vmem>>) semaphore(%arg9 : memref<!tpu.dma_semaphore, #tpu.memory_space<semaphore_mem>>)
    %dma_wait3A = arith.constant 0 : i32
    %dma_wait3A_18 = arith.constant 0 : i32
    %dma_wait3A_19 = arith.constant 0 : i32
    %dma_wait3A_20 = tpu.memref_slice %arg5[%dma_wait3A, %dma_wait3A_18, %dma_wait3A_19] : memref<4x2x128xi32, #tpu.memory_space<vmem>> -> memref<1x1x128xi32, #tpu.memory_space<vmem>>
    %dma_wait3A_21 = tpu.memref_squeeze %dma_wait3A_20 : memref<1x1x128xi32, #tpu.memory_space<vmem>> -> memref<128xi32, #tpu.memory_space<vmem>>
    %dma_wait3A_22 = arith.constant 0 : i32
    %dma_wait3A_23 = arith.constant 0 : i32
    %dma_wait3A_24 = tpu.memref_slice %arg3[%dma_wait3A_22, %dma_wait3A_23] : memref<1000000x256xf32, #tpu.memory_space<hbm>> -> memref<1000000x256xf32, #tpu.memory_space<hbm>>
    tpu.wait_indirect_dma semaphore(%arg8 : memref<!tpu.dma_semaphore, #tpu.memory_space<semaphore_mem>>) src(%dma_wait3A_24 : memref<1000000x256xf32, #tpu.memory_space<hbm>>) dst(%arg6 : memref<128x256xf32, #tpu.memory_space<vmem>>)
    %add3A_25 = arith.constant 0 : i32
    %add3A_26 = arith.addi %mul3A_2, %add3A_25 : i32
    %dma_start3A_27 = arith.constant 0 : i32
    %dma_start3A_28 = tpu.memref_slice %arg4[%add3A_26, %dma_start3A_27] : memref<16384x512xf32, #tpu.memory_space<hbm>> -> memref<128x256xf32, #tpu.memory_space<hbm>>
    %dma_start3A_29 = arith.constant 0 : i32
    %dma_start3A_30 = tpu.memref_slice %arg4[%add3A_26, %dma_start3A_29] : memref<16384x512xf32, #tpu.memory_space<hbm>> -> memref<128x256xf32, #tpu.memory_space<hbm>>
    tpu.enqueue_dma source(%arg6 : memref<128x256xf32, #tpu.memory_space<vmem>>) target(%dma_start3A_30 : memref<128x256xf32, #tpu.memory_space<hbm>>) target_semaphore(%arg10 : memref<!tpu.dma_semaphore, #tpu.memory_space<semaphore_mem>>)
    %dma_wait3A_31 = arith.constant 0 : i32
    %dma_wait3A_32 = tpu.memref_slice %arg4[%add3A_26, %dma_wait3A_31] : memref<16384x512xf32, #tpu.memory_space<hbm>> -> memref<128x256xf32, #tpu.memory_space<hbm>>
    %dma_wait3A_33 = arith.constant 0 : i32
    %dma_wait3A_34 = tpu.memref_slice %arg4[%add3A_26, %dma_wait3A_33] : memref<16384x512xf32, #tpu.memory_space<hbm>> -> memref<128x256xf32, #tpu.memory_space<hbm>>
    tpu.wait_dma2 semaphore(%arg10 : memref<!tpu.dma_semaphore, #tpu.memory_space<semaphore_mem>>) src(%arg6 : memref<128x256xf32, #tpu.memory_space<vmem>>) dst(%dma_wait3A_34 : memref<128x256xf32, #tpu.memory_space<hbm>>)
    %dma_start3A_35 = arith.constant 1 : i32
    %dma_start3A_36 = arith.constant 0 : i32
    %dma_start3A_37 = arith.constant 0 : i32
    %dma_start3A_38 = tpu.memref_slice %arg5[%dma_start3A_35, %dma_start3A_36, %dma_start3A_37] : memref<4x2x128xi32, #tpu.memory_space<vmem>> -> memref<1x1x128xi32, #tpu.memory_space<vmem>>
    %dma_start3A_39 = tpu.memref_squeeze %dma_start3A_38 : memref<1x1x128xi32, #tpu.memory_space<vmem>> -> memref<128xi32, #tpu.memory_space<vmem>>
    %dma_start3A_40 = arith.constant 0 : i32
    %dma_start3A_41 = arith.constant 0 : i32
    %dma_start3A_42 = tpu.memref_slice %arg3[%dma_start3A_40, %dma_start3A_41] : memref<1000000x256xf32, #tpu.memory_space<hbm>> -> memref<1000000x256xf32, #tpu.memory_space<hbm>>
    tpu.enqueue_indirect_dma source(%dma_start3A_42 : memref<1000000x256xf32, #tpu.memory_space<hbm>>) target(%arg6 : memref<128x256xf32, #tpu.memory_space<vmem>>) offsets(%dma_start3A_39 : memref<128xi32, #tpu.memory_space<vmem>>) semaphore(%arg8 : memref<!tpu.dma_semaphore, #tpu.memory_space<semaphore_mem>>)
    %dma_wait3A_43 = arith.constant 0 : i32
    %dma_wait3A_44 = arith.constant 1 : i32
    %dma_wait3A_45 = arith.constant 0 : i32
    %dma_wait3A_46 = tpu.memref_slice %arg5[%dma_wait3A_43, %dma_wait3A_44, %dma_wait3A_45] : memref<4x2x128xi32, #tpu.memory_space<vmem>> -> memref<1x1x128xi32, #tpu.memory_space<vmem>>
    %dma_wait3A_47 = tpu.memref_squeeze %dma_wait3A_46 : memref<1x1x128xi32, #tpu.memory_space<vmem>> -> memref<128xi32, #tpu.memory_space<vmem>>
    %dma_wait3A_48 = arith.constant 0 : i32
    %dma_wait3A_49 = arith.constant 0 : i32
    %dma_wait3A_50 = tpu.memref_slice %arg3[%dma_wait3A_48, %dma_wait3A_49] : memref<1000000x256xf32, #tpu.memory_space<hbm>> -> memref<1000000x256xf32, #tpu.memory_space<hbm>>
    tpu.wait_indirect_dma semaphore(%arg9 : memref<!tpu.dma_semaphore, #tpu.memory_space<semaphore_mem>>) src(%dma_wait3A_50 : memref<1000000x256xf32, #tpu.memory_space<hbm>>) dst(%arg7 : memref<128x256xf32, #tpu.memory_space<vmem>>)
    %add3A_51 = arith.constant 0 : i32
    %add3A_52 = arith.addi %mul3A_2, %add3A_51 : i32
    %dma_start3A_53 = arith.constant 256 : i32
    %dma_start3A_54 = tpu.memref_slice %arg4[%add3A_52, %dma_start3A_53] : memref<16384x512xf32, #tpu.memory_space<hbm>> -> memref<128x256xf32, #tpu.memory_space<hbm>>
    %dma_start3A_55 = arith.constant 256 : i32
    %dma_start3A_56 = tpu.memref_slice %arg4[%add3A_52, %dma_start3A_55] : memref<16384x512xf32, #tpu.memory_space<hbm>> -> memref<128x256xf32, #tpu.memory_space<hbm>>
    tpu.enqueue_dma source(%arg7 : memref<128x256xf32, #tpu.memory_space<vmem>>) target(%dma_start3A_56 : memref<128x256xf32, #tpu.memory_space<hbm>>) target_semaphore(%arg11 : memref<!tpu.dma_semaphore, #tpu.memory_space<semaphore_mem>>)
    %dma_wait3A_57 = arith.constant 256 : i32
    %dma_wait3A_58 = tpu.memref_slice %arg4[%add3A_52, %dma_wait3A_57] : memref<16384x512xf32, #tpu.memory_space<hbm>> -> memref<128x256xf32, #tpu.memory_space<hbm>>
    %dma_wait3A_59 = arith.constant 256 : i32
    %dma_wait3A_60 = tpu.memref_slice %arg4[%add3A_52, %dma_wait3A_59] : memref<16384x512xf32, #tpu.memory_space<hbm>> -> memref<128x256xf32, #tpu.memory_space<hbm>>
    tpu.wait_dma2 semaphore(%arg11 : memref<!tpu.dma_semaphore, #tpu.memory_space<semaphore_mem>>) src(%arg7 : memref<128x256xf32, #tpu.memory_space<vmem>>) dst(%dma_wait3A_60 : memref<128x256xf32, #tpu.memory_space<hbm>>)
    %dma_start3A_61 = arith.constant 1 : i32
    %dma_start3A_62 = arith.constant 1 : i32
    %dma_start3A_63 = arith.constant 0 : i32
    %dma_start3A_64 = tpu.memref_slice %arg5[%dma_start3A_61, %dma_start3A_62, %dma_start3A_63] : memref<4x2x128xi32, #tpu.memory_space<vmem>> -> memref<1x1x128xi32, #tpu.memory_space<vmem>>
    %dma_start3A_65 = tpu.memref_squeeze %dma_start3A_64 : memref<1x1x128xi32, #tpu.memory_space<vmem>> -> memref<128xi32, #tpu.memory_space<vmem>>
    %dma_start3A_66 = arith.constant 0 : i32
    %dma_start3A_67 = arith.constant 0 : i32
    %dma_start3A_68 = tpu.memref_slice %arg3[%dma_start3A_66, %dma_start3A_67] : memref<1000000x256xf32, #tpu.memory_space<hbm>> -> memref<1000000x256xf32, #tpu.memory_space<hbm>>
    tpu.enqueue_indirect_dma source(%dma_start3A_68 : memref<1000000x256xf32, #tpu.memory_space<hbm>>) target(%arg7 : memref<128x256xf32, #tpu.memory_space<vmem>>) offsets(%dma_start3A_65 : memref<128xi32, #tpu.memory_space<vmem>>) semaphore(%arg9 : memref<!tpu.dma_semaphore, #tpu.memory_space<semaphore_mem>>)
    %dma_wait3A_69 = arith.constant 1 : i32
    %dma_wait3A_70 = arith.constant 0 : i32
    %dma_wait3A_71 = arith.constant 0 : i32
    %dma_wait3A_72 = tpu.memref_slice %arg5[%dma_wait3A_69, %dma_wait3A_70, %dma_wait3A_71] : memref<4x2x128xi32, #tpu.memory_space<vmem>> -> memref<1x1x128xi32, #tpu.memory_space<vmem>>
    %dma_wait3A_73 = tpu.memref_squeeze %dma_wait3A_72 : memref<1x1x128xi32, #tpu.memory_space<vmem>> -> memref<128xi32, #tpu.memory_space<vmem>>
    %dma_wait3A_74 = arith.constant 0 : i32
    %dma_wait3A_75 = arith.constant 0 : i32
    %dma_wait3A_76 = tpu.memref_slice %arg3[%dma_wait3A_74, %dma_wait3A_75] : memref<1000000x256xf32, #tpu.memory_space<hbm>> -> memref<1000000x256xf32, #tpu.memory_space<hbm>>
    tpu.wait_indirect_dma semaphore(%arg8 : memref<!tpu.dma_semaphore, #tpu.memory_space<semaphore_mem>>) src(%dma_wait3A_76 : memref<1000000x256xf32, #tpu.memory_space<hbm>>) dst(%arg6 : memref<128x256xf32, #tpu.memory_space<vmem>>)
    %add3A_77 = arith.constant 128 : i32
    %add3A_78 = arith.addi %mul3A_2, %add3A_77 : i32
    %dma_start3A_79 = arith.constant 0 : i32
    %dma_start3A_80 = tpu.memref_slice %arg4[%add3A_78, %dma_start3A_79] : memref<16384x512xf32, #tpu.memory_space<hbm>> -> memref<128x256xf32, #tpu.memory_space<hbm>>
    %dma_start3A_81 = arith.constant 0 : i32
    %dma_start3A_82 = tpu.memref_slice %arg4[%add3A_78, %dma_start3A_81] : memref<16384x512xf32, #tpu.memory_space<hbm>> -> memref<128x256xf32, #tpu.memory_space<hbm>>
    tpu.enqueue_dma source(%arg6 : memref<128x256xf32, #tpu.memory_space<vmem>>) target(%dma_start3A_82 : memref<128x256xf32, #tpu.memory_space<hbm>>) target_semaphore(%arg10 : memref<!tpu.dma_semaphore, #tpu.memory_space<semaphore_mem>>)
    %dma_wait3A_83 = arith.constant 0 : i32
    %dma_wait3A_84 = tpu.memref_slice %arg4[%add3A_78, %dma_wait3A_83] : memref<16384x512xf32, #tpu.memory_space<hbm>> -> memref<128x256xf32, #tpu.memory_space<hbm>>
    %dma_wait3A_85 = arith.constant 0 : i32
    %dma_wait3A_86 = tpu.memref_slice %arg4[%add3A_78, %dma_wait3A_85] : memref<16384x512xf32, #tpu.memory_space<hbm>> -> memref<128x256xf32, #tpu.memory_space<hbm>>
    tpu.wait_dma2 semaphore(%arg10 : memref<!tpu.dma_semaphore, #tpu.memory_space<semaphore_mem>>) src(%arg6 : memref<128x256xf32, #tpu.memory_space<vmem>>) dst(%dma_wait3A_86 : memref<128x256xf32, #tpu.memory_space<hbm>>)
    %dma_start3A_87 = arith.constant 2 : i32
    %dma_start3A_88 = arith.constant 0 : i32
    %dma_start3A_89 = arith.constant 0 : i32
    %dma_start3A_90 = tpu.memref_slice %arg5[%dma_start3A_87, %dma_start3A_88, %dma_start3A_89] : memref<4x2x128xi32, #tpu.memory_space<vmem>> -> memref<1x1x128xi32, #tpu.memory_space<vmem>>
    %dma_start3A_91 = tpu.memref_squeeze %dma_start3A_90 : memref<1x1x128xi32, #tpu.memory_space<vmem>> -> memref<128xi32, #tpu.memory_space<vmem>>
    %dma_start3A_92 = arith.constant 0 : i32
    %dma_start3A_93 = arith.constant 0 : i32
    %dma_start3A_94 = tpu.memref_slice %arg3[%dma_start3A_92, %dma_start3A_93] : memref<1000000x256xf32, #tpu.memory_space<hbm>> -> memref<1000000x256xf32, #tpu.memory_space<hbm>>
    tpu.enqueue_indirect_dma source(%dma_start3A_94 : memref<1000000x256xf32, #tpu.memory_space<hbm>>) target(%arg6 : memref<128x256xf32, #tpu.memory_space<vmem>>) offsets(%dma_start3A_91 : memref<128xi32, #tpu.memory_space<vmem>>) semaphore(%arg8 : memref<!tpu.dma_semaphore, #tpu.memory_space<semaphore_mem>>)
    %dma_wait3A_95 = arith.constant 1 : i32
    %dma_wait3A_96 = arith.constant 1 : i32
    %dma_wait3A_97 = arith.constant 0 : i32
    %dma_wait3A_98 = tpu.memref_slice %arg5[%dma_wait3A_95, %dma_wait3A_96, %dma_wait3A_97] : memref<4x2x128xi32, #tpu.memory_space<vmem>> -> memref<1x1x128xi32, #tpu.memory_space<vmem>>
    %dma_wait3A_99 = tpu.memref_squeeze %dma_wait3A_98 : memref<1x1x128xi32, #tpu.memory_space<vmem>> -> memref<128xi32, #tpu.memory_space<vmem>>
    %dma_wait3A_100 = arith.constant 0 : i32
    %dma_wait3A_101 = arith.constant 0 : i32
    %dma_wait3A_102 = tpu.memref_slice %arg3[%dma_wait3A_100, %dma_wait3A_101] : memref<1000000x256xf32, #tpu.memory_space<hbm>> -> memref<1000000x256xf32, #tpu.memory_space<hbm>>
    tpu.wait_indirect_dma semaphore(%arg9 : memref<!tpu.dma_semaphore, #tpu.memory_space<semaphore_mem>>) src(%dma_wait3A_102 : memref<1000000x256xf32, #tpu.memory_space<hbm>>) dst(%arg7 : memref<128x256xf32, #tpu.memory_space<vmem>>)
    %add3A_103 = arith.constant 128 : i32
    %add3A_104 = arith.addi %mul3A_2, %add3A_103 : i32
    %dma_start3A_105 = arith.constant 256 : i32
    %dma_start3A_106 = tpu.memref_slice %arg4[%add3A_104, %dma_start3A_105] : memref<16384x512xf32, #tpu.memory_space<hbm>> -> memref<128x256xf32, #tpu.memory_space<hbm>>
    %dma_start3A_107 = arith.constant 256 : i32
    %dma_start3A_108 = tpu.memref_slice %arg4[%add3A_104, %dma_start3A_107] : memref<16384x512xf32, #tpu.memory_space<hbm>> -> memref<128x256xf32, #tpu.memory_space<hbm>>
    tpu.enqueue_dma source(%arg7 : memref<128x256xf32, #tpu.memory_space<vmem>>) target(%dma_start3A_108 : memref<128x256xf32, #tpu.memory_space<hbm>>) target_semaphore(%arg11 : memref<!tpu.dma_semaphore, #tpu.memory_space<semaphore_mem>>)
    %dma_wait3A_109 = arith.constant 256 : i32
    %dma_wait3A_110 = tpu.memref_slice %arg4[%add3A_104, %dma_wait3A_109] : memref<16384x512xf32, #tpu.memory_space<hbm>> -> memref<128x256xf32, #tpu.memory_space<hbm>>
    %dma_wait3A_111 = arith.constant 256 : i32
    %dma_wait3A_112 = tpu.memref_slice %arg4[%add3A_104, %dma_wait3A_111] : memref<16384x512xf32, #tpu.memory_space<hbm>> -> memref<128x256xf32, #tpu.memory_space<hbm>>
    tpu.wait_dma2 semaphore(%arg11 : memref<!tpu.dma_semaphore, #tpu.memory_space<semaphore_mem>>) src(%arg7 : memref<128x256xf32, #tpu.memory_space<vmem>>) dst(%dma_wait3A_112 : memref<128x256xf32, #tpu.memory_space<hbm>>)
    %dma_start3A_113 = arith.constant 2 : i32
    %dma_start3A_114 = arith.constant 1 : i32
    %dma_start3A_115 = arith.constant 0 : i32
    %dma_start3A_116 = tpu.memref_slice %arg5[%dma_start3A_113, %dma_start3A_114, %dma_start3A_115] : memref<4x2x128xi32, #tpu.memory_space<vmem>> -> memref<1x1x128xi32, #tpu.memory_space<vmem>>
    %dma_start3A_117 = tpu.memref_squeeze %dma_start3A_116 : memref<1x1x128xi32, #tpu.memory_space<vmem>> -> memref<128xi32, #tpu.memory_space<vmem>>
    %dma_start3A_118 = arith.constant 0 : i32
    %dma_start3A_119 = arith.constant 0 : i32
    %dma_start3A_120 = tpu.memref_slice %arg3[%dma_start3A_118, %dma_start3A_119] : memref<1000000x256xf32, #tpu.memory_space<hbm>> -> memref<1000000x256xf32, #tpu.memory_space<hbm>>
    tpu.enqueue_indirect_dma source(%dma_start3A_120 : memref<1000000x256xf32, #tpu.memory_space<hbm>>) target(%arg7 : memref<128x256xf32, #tpu.memory_space<vmem>>) offsets(%dma_start3A_117 : memref<128xi32, #tpu.memory_space<vmem>>) semaphore(%arg9 : memref<!tpu.dma_semaphore, #tpu.memory_space<semaphore_mem>>)
    %dma_wait3A_121 = arith.constant 2 : i32
    %dma_wait3A_122 = arith.constant 0 : i32
    %dma_wait3A_123 = arith.constant 0 : i32
    %dma_wait3A_124 = tpu.memref_slice %arg5[%dma_wait3A_121, %dma_wait3A_122, %dma_wait3A_123] : memref<4x2x128xi32, #tpu.memory_space<vmem>> -> memref<1x1x128xi32, #tpu.memory_space<vmem>>
    %dma_wait3A_125 = tpu.memref_squeeze %dma_wait3A_124 : memref<1x1x128xi32, #tpu.memory_space<vmem>> -> memref<128xi32, #tpu.memory_space<vmem>>
    %dma_wait3A_126 = arith.constant 0 : i32
    %dma_wait3A_127 = arith.constant 0 : i32
    %dma_wait3A_128 = tpu.memref_slice %arg3[%dma_wait3A_126, %dma_wait3A_127] : memref<1000000x256xf32, #tpu.memory_space<hbm>> -> memref<1000000x256xf32, #tpu.memory_space<hbm>>
    tpu.wait_indirect_dma semaphore(%arg8 : memref<!tpu.dma_semaphore, #tpu.memory_space<semaphore_mem>>) src(%dma_wait3A_128 : memref<1000000x256xf32, #tpu.memory_space<hbm>>) dst(%arg6 : memref<128x256xf32, #tpu.memory_space<vmem>>)
    %add3A_129 = arith.constant 256 : i32
    %add3A_130 = arith.addi %mul3A_2, %add3A_129 : i32
    %dma_start3A_131 = arith.constant 0 : i32
    %dma_start3A_132 = tpu.memref_slice %arg4[%add3A_130, %dma_start3A_131] : memref<16384x512xf32, #tpu.memory_space<hbm>> -> memref<128x256xf32, #tpu.memory_space<hbm>>
    %dma_start3A_133 = arith.constant 0 : i32
    %dma_start3A_134 = tpu.memref_slice %arg4[%add3A_130, %dma_start3A_133] : memref<16384x512xf32, #tpu.memory_space<hbm>> -> memref<128x256xf32, #tpu.memory_space<hbm>>
    tpu.enqueue_dma source(%arg6 : memref<128x256xf32, #tpu.memory_space<vmem>>) target(%dma_start3A_134 : memref<128x256xf32, #tpu.memory_space<hbm>>) target_semaphore(%arg10 : memref<!tpu.dma_semaphore, #tpu.memory_space<semaphore_mem>>)
    %dma_wait3A_135 = arith.constant 0 : i32
    %dma_wait3A_136 = tpu.memref_slice %arg4[%add3A_130, %dma_wait3A_135] : memref<16384x512xf32, #tpu.memory_space<hbm>> -> memref<128x256xf32, #tpu.memory_space<hbm>>
    %dma_wait3A_137 = arith.constant 0 : i32
    %dma_wait3A_138 = tpu.memref_slice %arg4[%add3A_130, %dma_wait3A_137] : memref<16384x512xf32, #tpu.memory_space<hbm>> -> memref<128x256xf32, #tpu.memory_space<hbm>>
    tpu.wait_dma2 semaphore(%arg10 : memref<!tpu.dma_semaphore, #tpu.memory_space<semaphore_mem>>) src(%arg6 : memref<128x256xf32, #tpu.memory_space<vmem>>) dst(%dma_wait3A_138 : memref<128x256xf32, #tpu.memory_space<hbm>>)
    %dma_start3A_139 = arith.constant 3 : i32
    %dma_start3A_140 = arith.constant 0 : i32
    %dma_start3A_141 = arith.constant 0 : i32
    %dma_start3A_142 = tpu.memref_slice %arg5[%dma_start3A_139, %dma_start3A_140, %dma_start3A_141] : memref<4x2x128xi32, #tpu.memory_space<vmem>> -> memref<1x1x128xi32, #tpu.memory_space<vmem>>
    %dma_start3A_143 = tpu.memref_squeeze %dma_start3A_142 : memref<1x1x128xi32, #tpu.memory_space<vmem>> -> memref<128xi32, #tpu.memory_space<vmem>>
    %dma_start3A_144 = arith.constant 0 : i32
    %dma_start3A_145 = arith.constant 0 : i32
    %dma_start3A_146 = tpu.memref_slice %arg3[%dma_start3A_144, %dma_start3A_145] : memref<1000000x256xf32, #tpu.memory_space<hbm>> -> memref<1000000x256xf32, #tpu.memory_space<hbm>>
    tpu.enqueue_indirect_dma source(%dma_start3A_146 : memref<1000000x256xf32, #tpu.memory_space<hbm>>) target(%arg6 : memref<128x256xf32, #tpu.memory_space<vmem>>) offsets(%dma_start3A_143 : memref<128xi32, #tpu.memory_space<vmem>>) semaphore(%arg8 : memref<!tpu.dma_semaphore, #tpu.memory_space<semaphore_mem>>)
    %dma_wait3A_147 = arith.constant 2 : i32
    %dma_wait3A_148 = arith.constant 1 : i32
    %dma_wait3A_149 = arith.constant 0 : i32
    %dma_wait3A_150 = tpu.memref_slice %arg5[%dma_wait3A_147, %dma_wait3A_148, %dma_wait3A_149] : memref<4x2x128xi32, #tpu.memory_space<vmem>> -> memref<1x1x128xi32, #tpu.memory_space<vmem>>
    %dma_wait3A_151 = tpu.memref_squeeze %dma_wait3A_150 : memref<1x1x128xi32, #tpu.memory_space<vmem>> -> memref<128xi32, #tpu.memory_space<vmem>>
    %dma_wait3A_152 = arith.constant 0 : i32
    %dma_wait3A_153 = arith.constant 0 : i32
    %dma_wait3A_154 = tpu.memref_slice %arg3[%dma_wait3A_152, %dma_wait3A_153] : memref<1000000x256xf32, #tpu.memory_space<hbm>> -> memref<1000000x256xf32, #tpu.memory_space<hbm>>
    tpu.wait_indirect_dma semaphore(%arg9 : memref<!tpu.dma_semaphore, #tpu.memory_space<semaphore_mem>>) src(%dma_wait3A_154 : memref<1000000x256xf32, #tpu.memory_space<hbm>>) dst(%arg7 : memref<128x256xf32, #tpu.memory_space<vmem>>)
    %add3A_155 = arith.constant 256 : i32
    %add3A_156 = arith.addi %mul3A_2, %add3A_155 : i32
    %dma_start3A_157 = arith.constant 256 : i32
    %dma_start3A_158 = tpu.memref_slice %arg4[%add3A_156, %dma_start3A_157] : memref<16384x512xf32, #tpu.memory_space<hbm>> -> memref<128x256xf32, #tpu.memory_space<hbm>>
    %dma_start3A_159 = arith.constant 256 : i32
    %dma_start3A_160 = tpu.memref_slice %arg4[%add3A_156, %dma_start3A_159] : memref<16384x512xf32, #tpu.memory_space<hbm>> -> memref<128x256xf32, #tpu.memory_space<hbm>>
    tpu.enqueue_dma source(%arg7 : memref<128x256xf32, #tpu.memory_space<vmem>>) target(%dma_start3A_160 : memref<128x256xf32, #tpu.memory_space<hbm>>) target_semaphore(%arg11 : memref<!tpu.dma_semaphore, #tpu.memory_space<semaphore_mem>>)
    %dma_wait3A_161 = arith.constant 256 : i32
    %dma_wait3A_162 = tpu.memref_slice %arg4[%add3A_156, %dma_wait3A_161] : memref<16384x512xf32, #tpu.memory_space<hbm>> -> memref<128x256xf32, #tpu.memory_space<hbm>>
    %dma_wait3A_163 = arith.constant 256 : i32
    %dma_wait3A_164 = tpu.memref_slice %arg4[%add3A_156, %dma_wait3A_163] : memref<16384x512xf32, #tpu.memory_space<hbm>> -> memref<128x256xf32, #tpu.memory_space<hbm>>
    tpu.wait_dma2 semaphore(%arg11 : memref<!tpu.dma_semaphore, #tpu.memory_space<semaphore_mem>>) src(%arg7 : memref<128x256xf32, #tpu.memory_space<vmem>>) dst(%dma_wait3A_164 : memref<128x256xf32, #tpu.memory_space<hbm>>)
    %dma_start3A_165 = arith.constant 3 : i32
    %dma_start3A_166 = arith.constant 1 : i32
    %dma_start3A_167 = arith.constant 0 : i32
    %dma_start3A_168 = tpu.memref_slice %arg5[%dma_start3A_165, %dma_start3A_166, %dma_start3A_167] : memref<4x2x128xi32, #tpu.memory_space<vmem>> -> memref<1x1x128xi32, #tpu.memory_space<vmem>>
    %dma_start3A_169 = tpu.memref_squeeze %dma_start3A_168 : memref<1x1x128xi32, #tpu.memory_space<vmem>> -> memref<128xi32, #tpu.memory_space<vmem>>
    %dma_start3A_170 = arith.constant 0 : i32
    %dma_start3A_171 = arith.constant 0 : i32
    %dma_start3A_172 = tpu.memref_slice %arg3[%dma_start3A_170, %dma_start3A_171] : memref<1000000x256xf32, #tpu.memory_space<hbm>> -> memref<1000000x256xf32, #tpu.memory_space<hbm>>
    tpu.enqueue_indirect_dma source(%dma_start3A_172 : memref<1000000x256xf32, #tpu.memory_space<hbm>>) target(%arg7 : memref<128x256xf32, #tpu.memory_space<vmem>>) offsets(%dma_start3A_169 : memref<128xi32, #tpu.memory_space<vmem>>) semaphore(%arg9 : memref<!tpu.dma_semaphore, #tpu.memory_space<semaphore_mem>>)
    %dma_wait3A_173 = arith.constant 3 : i32
    %dma_wait3A_174 = arith.constant 0 : i32
    %dma_wait3A_175 = arith.constant 0 : i32
    %dma_wait3A_176 = tpu.memref_slice %arg5[%dma_wait3A_173, %dma_wait3A_174, %dma_wait3A_175] : memref<4x2x128xi32, #tpu.memory_space<vmem>> -> memref<1x1x128xi32, #tpu.memory_space<vmem>>
    %dma_wait3A_177 = tpu.memref_squeeze %dma_wait3A_176 : memref<1x1x128xi32, #tpu.memory_space<vmem>> -> memref<128xi32, #tpu.memory_space<vmem>>
    %dma_wait3A_178 = arith.constant 0 : i32
    %dma_wait3A_179 = arith.constant 0 : i32
    %dma_wait3A_180 = tpu.memref_slice %arg3[%dma_wait3A_178, %dma_wait3A_179] : memref<1000000x256xf32, #tpu.memory_space<hbm>> -> memref<1000000x256xf32, #tpu.memory_space<hbm>>
    tpu.wait_indirect_dma semaphore(%arg8 : memref<!tpu.dma_semaphore, #tpu.memory_space<semaphore_mem>>) src(%dma_wait3A_180 : memref<1000000x256xf32, #tpu.memory_space<hbm>>) dst(%arg6 : memref<128x256xf32, #tpu.memory_space<vmem>>)
    %add3A_181 = arith.constant 384 : i32
    %add3A_182 = arith.addi %mul3A_2, %add3A_181 : i32
    %dma_start3A_183 = arith.constant 0 : i32
    %dma_start3A_184 = tpu.memref_slice %arg4[%add3A_182, %dma_start3A_183] : memref<16384x512xf32, #tpu.memory_space<hbm>> -> memref<128x256xf32, #tpu.memory_space<hbm>>
    %dma_start3A_185 = arith.constant 0 : i32
    %dma_start3A_186 = tpu.memref_slice %arg4[%add3A_182, %dma_start3A_185] : memref<16384x512xf32, #tpu.memory_space<hbm>> -> memref<128x256xf32, #tpu.memory_space<hbm>>
    tpu.enqueue_dma source(%arg6 : memref<128x256xf32, #tpu.memory_space<vmem>>) target(%dma_start3A_186 : memref<128x256xf32, #tpu.memory_space<hbm>>) target_semaphore(%arg10 : memref<!tpu.dma_semaphore, #tpu.memory_space<semaphore_mem>>)
    %dma_wait3A_187 = arith.constant 3 : i32
    %dma_wait3A_188 = arith.constant 1 : i32
    %dma_wait3A_189 = arith.constant 0 : i32
    %dma_wait3A_190 = tpu.memref_slice %arg5[%dma_wait3A_187, %dma_wait3A_188, %dma_wait3A_189] : memref<4x2x128xi32, #tpu.memory_space<vmem>> -> memref<1x1x128xi32, #tpu.memory_space<vmem>>
    %dma_wait3A_191 = tpu.memref_squeeze %dma_wait3A_190 : memref<1x1x128xi32, #tpu.memory_space<vmem>> -> memref<128xi32, #tpu.memory_space<vmem>>
    %dma_wait3A_192 = arith.constant 0 : i32
    %dma_wait3A_193 = arith.constant 0 : i32
    %dma_wait3A_194 = tpu.memref_slice %arg3[%dma_wait3A_192, %dma_wait3A_193] : memref<1000000x256xf32, #tpu.memory_space<hbm>> -> memref<1000000x256xf32, #tpu.memory_space<hbm>>
    tpu.wait_indirect_dma semaphore(%arg9 : memref<!tpu.dma_semaphore, #tpu.memory_space<semaphore_mem>>) src(%dma_wait3A_194 : memref<1000000x256xf32, #tpu.memory_space<hbm>>) dst(%arg7 : memref<128x256xf32, #tpu.memory_space<vmem>>)
    %add3A_195 = arith.constant 384 : i32
    %add3A_196 = arith.addi %mul3A_2, %add3A_195 : i32
    %dma_start3A_197 = arith.constant 256 : i32
    %dma_start3A_198 = tpu.memref_slice %arg4[%add3A_196, %dma_start3A_197] : memref<16384x512xf32, #tpu.memory_space<hbm>> -> memref<128x256xf32, #tpu.memory_space<hbm>>
    %dma_start3A_199 = arith.constant 256 : i32
    %dma_start3A_200 = tpu.memref_slice %arg4[%add3A_196, %dma_start3A_199] : memref<16384x512xf32, #tpu.memory_space<hbm>> -> memref<128x256xf32, #tpu.memory_space<hbm>>
    tpu.enqueue_dma source(%arg7 : memref<128x256xf32, #tpu.memory_space<vmem>>) target(%dma_start3A_200 : memref<128x256xf32, #tpu.memory_space<hbm>>) target_semaphore(%arg11 : memref<!tpu.dma_semaphore, #tpu.memory_space<semaphore_mem>>)
    %dma_wait3A_201 = arith.constant 0 : i32
    %dma_wait3A_202 = tpu.memref_slice %arg4[%add3A_182, %dma_wait3A_201] : memref<16384x512xf32, #tpu.memory_space<hbm>> -> memref<128x256xf32, #tpu.memory_space<hbm>>
    %dma_wait3A_203 = arith.constant 0 : i32
    %dma_wait3A_204 = tpu.memref_slice %arg4[%add3A_182, %dma_wait3A_203] : memref<16384x512xf32, #tpu.memory_space<hbm>> -> memref<128x256xf32, #tpu.memory_space<hbm>>
    tpu.wait_dma2 semaphore(%arg10 : memref<!tpu.dma_semaphore, #tpu.memory_space<semaphore_mem>>) src(%arg6 : memref<128x256xf32, #tpu.memory_space<vmem>>) dst(%dma_wait3A_204 : memref<128x256xf32, #tpu.memory_space<hbm>>)
    %dma_wait3A_205 = arith.constant 256 : i32
    %dma_wait3A_206 = tpu.memref_slice %arg4[%add3A_196, %dma_wait3A_205] : memref<16384x512xf32, #tpu.memory_space<hbm>> -> memref<128x256xf32, #tpu.memory_space<hbm>>
    %dma_wait3A_207 = arith.constant 256 : i32
    %dma_wait3A_208 = tpu.memref_slice %arg4[%add3A_196, %dma_wait3A_207] : memref<16384x512xf32, #tpu.memory_space<hbm>> -> memref<128x256xf32, #tpu.memory_space<hbm>>
    tpu.wait_dma2 semaphore(%arg11 : memref<!tpu.dma_semaphore, #tpu.memory_space<semaphore_mem>>) src(%arg7 : memref<128x256xf32, #tpu.memory_space<vmem>>) dst(%dma_wait3A_208 : memref<128x256xf32, #tpu.memory_space<hbm>>)
    return
  }
}

module attributes {stable_mosaic.version = 14 : i64} {
  func.func @_mlp_body(%arg0: i32, %arg1: memref<2048x512xf32, #tpu.memory_space<vmem>>, %arg2: memref<512x64xf32, #tpu.memory_space<vmem>>, %arg3: memref<1x64xf32, #tpu.memory_space<vmem>>, %arg4: memref<64x64xf32, #tpu.memory_space<vmem>>, %arg5: memref<1x64xf32, #tpu.memory_space<vmem>>, %arg6: memref<64x64xf32, #tpu.memory_space<vmem>>, %arg7: memref<1x64xf32, #tpu.memory_space<vmem>>, %arg8: memref<2048x64xf32, #tpu.memory_space<vmem>>) attributes {dimension_semantics = [#tpu.dimension_semantics<arbitrary>], iteration_bounds = array<i64: 8>, scalar_prefetch = 0 : i64, scratch_operands = 0 : i64, tpu.core_type = #tpu.core_type<tc>, window_params = [{transform_indices = @transform_0, window_bounds = array<i64: 2048, 512>}, {pipeline_mode = #tpu.pipeline_mode<synchronous>, transform_indices = @transform_1, window_bounds = array<i64: 512, 64>}, {pipeline_mode = #tpu.pipeline_mode<synchronous>, transform_indices = @transform_2, window_bounds = array<i64: 1, 64>}, {pipeline_mode = #tpu.pipeline_mode<synchronous>, transform_indices = @transform_3, window_bounds = array<i64: 64, 64>}, {pipeline_mode = #tpu.pipeline_mode<synchronous>, transform_indices = @transform_4, window_bounds = array<i64: 1, 64>}, {pipeline_mode = #tpu.pipeline_mode<synchronous>, transform_indices = @transform_5, window_bounds = array<i64: 64, 64>}, {pipeline_mode = #tpu.pipeline_mode<synchronous>, transform_indices = @transform_6, window_bounds = array<i64: 1, 64>}, {transform_indices = @transform_7, window_bounds = array<i64: 2048, 64>}]} {
    %get3A = arith.constant 0 : index
    %get3A_0 = arith.constant 0 : index
    %get3A_1 = vector.load %arg1[%get3A, %get3A_0] : memref<2048x512xf32, #tpu.memory_space<vmem>>, vector<2048x512xf32>
    %get3A_2 = arith.constant 0 : index
    %get3A_3 = arith.constant 0 : index
    %get3A_4 = vector.load %arg2[%get3A_2, %get3A_3] : memref<512x64xf32, #tpu.memory_space<vmem>>, vector<512x64xf32>
    %dot_general3A = arith.constant dense<0.000000e+00> : vector<2048x64xf32>
    %dot_general3A_5 = tpu.matmul %get3A_1, %get3A_4, %dot_general3A {dimension_numbers = #tpu.dot_dimension_numbers<[1], [0], [0], [1], [0, 0, 1, 1], [], []>, transpose_lhs_hint = false} : vector<2048x512xf32>, vector<512x64xf32>, vector<2048x64xf32> -> vector<2048x64xf32>
    %get3A_6 = arith.constant 0 : index
    %get3A_7 = arith.constant 0 : index
    %get3A_8 = vector.load %arg3[%get3A_6, %get3A_7] : memref<1x64xf32, #tpu.memory_space<vmem>>, vector<1x64xf32>
    %add3A = vector.broadcast %get3A_8 : vector<1x64xf32> to vector<2048x64xf32>
    %add3A_9 = arith.addf %dot_general3A_5, %add3A : vector<2048x64xf32>
    %max3A = arith.constant 0.000000e+00 : f32
    %max3A_10 = vector.broadcast %max3A : f32 to vector<2048x64xf32>
    %max3A_11 = arith.maximumf %add3A_9, %max3A_10 : vector<2048x64xf32>
    %get3A_12 = arith.constant 0 : index
    %get3A_13 = arith.constant 0 : index
    %get3A_14 = vector.load %arg4[%get3A_12, %get3A_13] : memref<64x64xf32, #tpu.memory_space<vmem>>, vector<64x64xf32>
    %dot_general3A_15 = arith.constant dense<0.000000e+00> : vector<2048x64xf32>
    %dot_general3A_16 = tpu.matmul %max3A_11, %get3A_14, %dot_general3A_15 {dimension_numbers = #tpu.dot_dimension_numbers<[1], [0], [0], [1], [0, 0, 1, 1], [], []>, transpose_lhs_hint = false} : vector<2048x64xf32>, vector<64x64xf32>, vector<2048x64xf32> -> vector<2048x64xf32>
    %get3A_17 = arith.constant 0 : index
    %get3A_18 = arith.constant 0 : index
    %get3A_19 = vector.load %arg5[%get3A_17, %get3A_18] : memref<1x64xf32, #tpu.memory_space<vmem>>, vector<1x64xf32>
    %add3A_20 = vector.broadcast %get3A_19 : vector<1x64xf32> to vector<2048x64xf32>
    %add3A_21 = arith.addf %dot_general3A_16, %add3A_20 : vector<2048x64xf32>
    %max3A_22 = arith.constant 0.000000e+00 : f32
    %max3A_23 = vector.broadcast %max3A_22 : f32 to vector<2048x64xf32>
    %max3A_24 = arith.maximumf %add3A_21, %max3A_23 : vector<2048x64xf32>
    %get3A_25 = arith.constant 0 : index
    %get3A_26 = arith.constant 0 : index
    %get3A_27 = vector.load %arg6[%get3A_25, %get3A_26] : memref<64x64xf32, #tpu.memory_space<vmem>>, vector<64x64xf32>
    %dot_general3A_28 = arith.constant dense<0.000000e+00> : vector<2048x64xf32>
    %dot_general3A_29 = tpu.matmul %max3A_24, %get3A_27, %dot_general3A_28 {dimension_numbers = #tpu.dot_dimension_numbers<[1], [0], [0], [1], [0, 0, 1, 1], [], []>, transpose_lhs_hint = false} : vector<2048x64xf32>, vector<64x64xf32>, vector<2048x64xf32> -> vector<2048x64xf32>
    %get3A_30 = arith.constant 0 : index
    %get3A_31 = arith.constant 0 : index
    %get3A_32 = vector.load %arg7[%get3A_30, %get3A_31] : memref<1x64xf32, #tpu.memory_space<vmem>>, vector<1x64xf32>
    %add3A_33 = vector.broadcast %get3A_32 : vector<1x64xf32> to vector<2048x64xf32>
    %add3A_34 = arith.addf %dot_general3A_29, %add3A_33 : vector<2048x64xf32>
    %swap3A = arith.constant 0 : index
    %swap3A_35 = arith.constant 0 : index
    %swap3A_36 = vector.load %arg8[%swap3A, %swap3A_35] : memref<2048x64xf32, #tpu.memory_space<vmem>>, vector<2048x64xf32>
    tpu.vector_store %arg8[%swap3A, %swap3A_35], %add3A_34 {strides = array<i32>} : memref<2048x64xf32, #tpu.memory_space<vmem>>, vector<2048x64xf32>,
    return
  }
  func.func @transform_0(%arg0: i32) -> (i32, i32) {
    %c0_i32 = arith.constant 0 : i32
    %c0_i32_0 = arith.constant 0 : i32
    return %arg0, %c0_i32 : i32, i32
  }
  func.func @transform_1(%arg0: i32) -> (i32, i32) {
    %c0_i32 = arith.constant 0 : i32
    %c0_i32_0 = arith.constant 0 : i32
    %c0_i32_1 = arith.constant 0 : i32
    return %c0_i32, %c0_i32_0 : i32, i32
  }
  func.func @transform_2(%arg0: i32) -> (i32, i32) {
    %c0_i32 = arith.constant 0 : i32
    %c0_i32_0 = arith.constant 0 : i32
    %c0_i32_1 = arith.constant 0 : i32
    return %c0_i32, %c0_i32_0 : i32, i32
  }
  func.func @transform_3(%arg0: i32) -> (i32, i32) {
    %c0_i32 = arith.constant 0 : i32
    %c0_i32_0 = arith.constant 0 : i32
    %c0_i32_1 = arith.constant 0 : i32
    return %c0_i32, %c0_i32_0 : i32, i32
  }
  func.func @transform_4(%arg0: i32) -> (i32, i32) {
    %c0_i32 = arith.constant 0 : i32
    %c0_i32_0 = arith.constant 0 : i32
    %c0_i32_1 = arith.constant 0 : i32
    return %c0_i32, %c0_i32_0 : i32, i32
  }
  func.func @transform_5(%arg0: i32) -> (i32, i32) {
    %c0_i32 = arith.constant 0 : i32
    %c0_i32_0 = arith.constant 0 : i32
    %c0_i32_1 = arith.constant 0 : i32
    return %c0_i32, %c0_i32_0 : i32, i32
  }
  func.func @transform_6(%arg0: i32) -> (i32, i32) {
    %c0_i32 = arith.constant 0 : i32
    %c0_i32_0 = arith.constant 0 : i32
    %c0_i32_1 = arith.constant 0 : i32
    return %c0_i32, %c0_i32_0 : i32, i32
  }
  func.func @transform_7(%arg0: i32) -> (i32, i32) {
    %c0_i32 = arith.constant 0 : i32
    %c0_i32_0 = arith.constant 0 : i32
    return %arg0, %c0_i32 : i32, i32
  }
}

</mosaic_0001>

<sc_bundles>
// kernel: kernel.4.cloned.1.call-start
scs
__scs_entry_jumppad:
0x0: {  	(pc) =	sbr.rel $0x88, $3  }
0x1: {  	(tag) =	ssettag $0x0;
	lr =	simm.s32 $0x1  }
0x2: {  	[smem:$0x3F99] =	sst lr;
	_ =	strace $0xD0000000  }
0x3: {  	_ = 	snop  }
0x4: {  	_ = 	snop  }
0x5: {  	_ = 	snop  }
0x6: {  	_ = 	snop  }
0x7: {  	_ = 	snop  }
__scs_overlays_trampoline_lowered:
0x8: {  	[smem:$0x3FA8] =	sst s0  }
0x9: {  	[smem:$0x3FA9] =	sst s1  }
0xa: {  	[smem:$0x3FAA] =	sst s2  }
0xb: {  	[smem:$0x3FAB] =	sst s3  }
0xc: {  	[smem:$0x3FAC] =	sst s4  }
0xd: {  	[smem:$0x3FAD] =	sst s5  }
0xe: {  	[smem:$0x3FAE] =	sst s6  }
0xf: {  	[smem:$0x3FAF] =	sst s7  }
0x10: {  	[smem:$0x3FB0] =	sst s8  }
0x11: {  	[smem:$0x3FB1] =	sst s9;
	s0 =	simm.s32 @!p0 $0x0  }
0x12: {  	s1 =	sld [smem:$0x3F97];
	s0 =	simm.s32 @p0 $0x1  }
0x13: {  	[smem:$0x3FB2] =	sst s0;
	s0 =	simm.s32 @!p1 $0x0  }
0x14: {  	s2 =	sld [smem:$0x3F96];
	s0 =	simm.s32 @p1 $0x1  }
0x15: {  	[smem:$0x3FB3] =	sst s0;
	s0 =	simm.s32 @!p2 $0x0  }
0x16: {  	s3 =	sld [smem:$0x3FDB];
	s0 =	simm.s32 @p2 $0x1  }
0x17: {  	s4 =	simm.s32 $0x1BF5;
	[smem:$0x3FB5] =	sst s0  }
0x18: {  	s0 =	sld [smem:$0x3F98];
	_ =	swait.ge [sflag:s4], $0x0  }
0x19: {  	s7 =	sld [smem:$0x3F99]  }
0x1a: {  	s8 =	sadd.s32 $0xFFFFE003, lr  }
0x1b: {  	s9 =	sadd.s32 $0xFFFFFEF7, lr;
	s5 =	simm.s32 $0xFFFFFFFF;
	p2 =	slt.u32 s8, $0xFFFFF086  }
0x1c: {  	p1 =	slt.u32 s9, $0xF7A;
	s5 =	simm.s32 @!p2 $0x0  }
0x1d: {  	s5 =	simm.s32 @p1 $0x1;
	p0 =	seq.s32 s7, s2  }
0x1e: {  	s7 =	smul.u32 @!p0 $0xF7A, s2;
	p2 =	seq.s32 @!p0 s5, $0x0  }
0x1f: {  	s9 =	smul.u32 $0xF7A, s1;
	s8 =	simm.s32 @!p0 $0x1BF5;
	p2 =	por !p2, p0  }
0x20: {  	[sflag:s8] =	ssyncset.s32 @!p0 $0xFFFFF086;
	s6 =	sadd.s32 @!p0 s3, s7;
	s7 =	simm.s32 @!p0 $0x108  }
0x21: {  	s3 =	sadd.s32 s3, s9;
	s6 =	sadd.s32 @!p0 $0x88, s6;
	s7 =	simm.s32 @p2 $0x1082  }
0x22: {  	[simem:s7], [sflag:s8] =	dma.local @!p0 [hbm:s6], $0xF7A  }
0x23: {  	s9 =	sor.u32 $0xD0000000, s2;
	s6 =	simm.s32 $0x108;
	_ =	swait.ge @!p0 [sflag:s8], $0x0  }
0x24: {  	s3 =	sadd.s32 $0x88, s3;
	s6 =	simm.s32 @!p1 $0x1082;
	[sflag:s4] =	ssyncset.s32 $0xFFFFF086  }
0x25: {  	[simem:s6], [sflag:s4] =	dma.local [hbm:s3], $0xF7A  }
0x26: {  	[smem:$0x3F99] =	sst s1;
	(tag) =	ssettag s2;
	_ =	strace s9  }
0x27: {  	s1 =	sld [smem:$0x3FA9]  }
0x28: {  	s2 =	sld [smem:$0x3FAA]  }
0x29: {  	s4 =	sld [smem:$0x3FAC]  }
0x2a: {  	p0 =	seq.s32 s5, $0x0;
	s5 =	sld [smem:$0x3FAD]  }
0x2b: {  	s6 =	sld [smem:$0x3FAE]  }
0x2c: {  	s7 =	sld [smem:$0x3FAF]  }
0x2d: {  	s3 =	simm.s32 $0x108;
	s8 =	sld [smem:$0x3FB0]  }
0x2e: {  	s3 =	simm.s32 @!p0 $0x1082;
	s9 =	sld [smem:$0x3FB1]  }
0x2f: {  	lr =	sadd.s32 s0, s3;
	s0 =	sld [smem:$0x3FA8]  }
0x30: {  	s3 =	sld [smem:$0x3FAB]  }
0x31: {  	[smem:$0x3FB4] =	sst s10  }
0x32: {  	s10 =	sld [smem:$0x3FB2];
	_ =	sdelay $0x3  }
0x33: {  	p0 =	seq.s32 s10, $0x1;
	s10 =	sld [smem:$0x3FB4];
	_ =	sdelay $0x3  }
0x34: {  	[smem:$0x3FB4] =	sst s10  }
0x35: {  	s10 =	sld [smem:$0x3FB3];
	_ =	sdelay $0x3  }
0x36: {  	p1 =	seq.s32 s10, $0x1;
	s10 =	sld [smem:$0x3FB4];
	_ =	sdelay $0x3  }
0x37: {  	[smem:$0x3FB4] =	sst s10  }
0x38: {  	s10 =	sld [smem:$0x3FB5]  }
0x39: {  	_ = 	snop;
	(pc) =	sbr.ind lr, $3  }
0x3a: {  	_ = 	snop  }
0x3b: {  	_ = 	snop  }
0x3c: {  	p2 =	seq.s32 s10, $0x1;
	s10 =	sld [smem:$0x3FB4]  }
0x3d: {  	_ =	shalt  }
0x3e: {  	_ =	shalt  }
0x3f: {  	_ =	shalt  }
0x40: {  	_ =	shalt  }
0x41: {  	_ =	shalt  }
0x42: {  	_ =	shalt  }
0x43: {  	_ =	shalt  }
0x44: {  	_ =	shalt  }
0x45: {  	_ =	shalt  }
0x46: {  	_ =	shalt  }
0x47: {  	_ =	shalt  }
0x48: {  	_ =	shalt  }
0x49: {  	_ =	shalt  }
0x4a: {  	_ =	shalt  }
0x4b: {  	_ =	shalt  }
0x4c: {  	_ =	shalt  }
0x4d: {  	_ =	shalt  }
0x4e: {  	_ =	shalt  }
0x4f: {  	_ =	shalt  }
0x50: {  	_ =	shalt  }
0x51: {  	_ =	shalt  }
0x52: {  	_ =	shalt  }
0x53: {  	_ =	shalt  }
0x54: {  	_ =	shalt  }
0x55: {  	_ =	shalt  }
0x56: {  	_ =	shalt  }
0x57: {  	_ =	shalt  }
0x58: {  	_ =	shalt  }
0x59: {  	_ =	shalt  }
0x5a: {  	_ =	shalt  }
0x5b: {  	_ =	shalt  }
0x5c: {  	_ =	shalt  }
0x5d: {  	_ =	shalt  }
0x5e: {  	_ =	shalt  }
0x5f: {  	_ =	shalt  }
0x60: {  	_ =	shalt  }
0x61: {  	_ =	shalt  }
0x62: {  	_ =	shalt  }
0x63: {  	_ =	shalt  }
0x64: {  	_ =	shalt  }
0x65: {  	_ =	shalt  }
0x66: {  	_ =	shalt  }
0x67: {  	_ =	shalt  }
0x68: {  	_ =	shalt  }
0x69: {  	_ =	shalt  }
0x6a: {  	_ =	shalt  }
0x6b: {  	_ =	shalt  }
0x6c: {  	_ =	shalt  }
0x6d: {  	_ =	shalt  }
0x6e: {  	_ =	shalt  }
0x6f: {  	_ =	shalt  }
0x70: {  	_ =	shalt  }
0x71: {  	_ =	shalt  }
0x72: {  	_ =	shalt  }
0x73: {  	_ =	shalt  }
0x74: {  	_ =	shalt  }
0x75: {  	_ =	shalt  }
0x76: {  	_ =	shalt  }
0x77: {  	_ =	shalt  }
0x78: {  	_ =	shalt  }
0x79: {  	_ =	shalt  }
0x7a: {  	_ =	shalt  }
0x7b: {  	_ =	shalt  }
0x7c: {  	_ =	shalt  }
0x7d: {  	_ =	shalt  }
0x7e: {  	_ =	shalt  }
0x7f: {  	_ =	shalt  }
0x80: {  	_ =	shalt  }
0x81: {  	_ =	shalt  }
0x82: {  	_ =	shalt  }
0x83: {  	_ =	shalt  }
0x84: {  	_ =	shalt  }
0x85: {  	_ =	shalt  }
0x86: {  	_ =	shalt  }
0x87: {  	_ =	shalt  }
.Lfunc_end0:
.L_simem_size_0:
called_computation_lowered:
.L_overlay_start_0:
0x88: {  	s2 =	sld [smem:$0x3FD9]  }
0x89: {  	s3 =	sld [smem:$0x3FFE];
	_ =	sdelay $0x1  }
0x8a: {  	s1 =	srdreg.scid  }
0x8b: {  	s0 =	sand.u32 $0x1, s1  }
0x8c: {  	s17 =	sshll.u32 s0, $0xA;
	s2 =	sadd.s32 s3, s2  }
0x8d: {  	s2 =	sadd.s32 s2, s17  }
0x8e: {  	[smem:$0x3FC0] =	sst s2  }
0x8f: {  	_ = 	snop  }
0x90: {  	s2 =	sld [smem:$0x3FC9]  }
0x91: {  	s18 =	sld [smem:$0x3FC8];
	(tm) =	ssettm $0x1  }
0x92: {  	s4 =	sld [smem:$0x3FFB];
	_ =	sdelay $0x3  }
0x93: {  	_ =	strace s4  }
0x94: {  	s4 =	sld [smem:$0x3FFC];
	_ =	sdelay $0x3  }
0x95: {  	_ =	strace s4  }
0x96: {  	s4 =	sld [smem:$0x3FFD];
	_ =	sdelay $0x3  }
0x97: {  	_ =	strace s4  }
0x98: {  	_ =	strace $0x8FFFFFFF  }
0x99: {  	s19 =	sld [smem:$0x3FDB];
	_ =	sdelay $0x1  }
0x9a: {  	s5 =	simm.s32 $_scs_section_size  }
0x9b: {  	s6 =	simm.s32 $_size__tile_overlayer_lowered;
	s7 =	simm.s32 $_tile_overlayer_lowered  }
0x9c: {  	s22 =	simm.s32 $0x1BFF;
	s21 =	sshll.u32 s7, $0x1;
	s4 =	sadd.s32 s5, s19  }
0x9d: {  	s8 =	simm.s32 $0x0;
	s20 =	sshll.u32 s6, $0x1;
	s6 =	sadd.s32 s21, s4  }
0x9e: {  	[timem:s8], [sflag:s22] =	dma.local [hbm:s6], s20  }
0x9f: {  	_ =	swait.ge [sflag:s22], s20  }
0xa0: {  	s5 =	ssub.s32 $0x0, s20;
	[sflag:s22] =	ssyncset.done $0x0  }
0xa1: {  	[sflag:s22] =	ssyncadd.s32 s5;
	_ =	sdelay $0x1  }
0xa2: {  	s23 =	simm.s32 $0x1B8B  }
0xa3: {  	_ =	swait.ge [sflag:s23], $0x1  }
0xa4: {  	[sflag:s23] =	ssyncset.done $0x0  }
0xa5: {  	s25 =	simm.s32 $0x1B8E;
	s24 =	sld [smem:$0x3FFE];
	[sflag:s23] =	ssyncadd.s32 $0xFFFFFFFF  }
0xa6: {  	s26 =	simm.s32 $execute0_lowered;
	[smem:$0x3FD2] =	sst s25  }
0xa7: {  	s6 =	sshll.u32 s26, $0x1;
	_ =	strace $0x80000046;
	[dreg:$0x1] =	wrdreg $0xFFFFFFFF  }
0xa8: {  	s28 =	simm.s32 $_size_execute0_lowered;
	s4 =	sadd.s32 s4, s6;
	[dreg:$0x0] =	wrdreg $0x0  }
0xa9: {  	s6 =	sshll.u32 s28, $0x1;
	[dreg:$0x2] =	wrdreg s4  }
0xaa: {  	[dreg:$0x3] =	wrdreg s6  }
0xab: {  	[dreg:$0x4] =	wrdreg $0xC0  }
0xac: {  	_ =	task [dreg:s8], $0x5FFFF  }
0xad: {  	[dreg:$0x1] =	wrdreg $0xFFFFFFFF  }
0xae: {  	[dreg:$0x0] =	wrdreg $0x60  }
0xaf: {  	[dreg:$0x2] =	wrdreg s2  }
0xb0: {  	[dreg:$0x3] =	wrdreg s18  }
0xb1: {  	[dreg:$0x4] =	wrdreg s24  }
0xb2: {  	[dreg:$0x5] =	wrdreg $0x9  }
0xb3: {  	_ =	task.clear_ibuf [dreg:s8], $0x6FFFF;
	_ =	strace $0x90000046  }
0xb4: {  	s29 =	simm.s32 $0x9;
	_ =	strace $0x80000048  }
0xb5: {  	_ =	swait.ge [sflag:s29], $0x1  }
0xb6: {  	[sflag:s29] =	ssyncadd.s32 $0xFFFFFFFF  }
0xb7: {  	_ =	strace $0x90000048  }
0xb8: {  	_ =	sfence  }
0xb9: {  	s30 =	sld [smem:$0x0];
	_ =	sdelay $0x2  }
0xba: {  	s31 =	sshll.u32 s1, $0xD;
	s1 =	sshrl.u32 s1, $0x2  }
0xbb: {  	s3 =	sand.u32 $0x4000, s31;
	s1 =	sadd.s32 s1, s30  }
0xbc: {  	s0 =	sor.u32 s3, s0;
	s1 =	sshll.u32 s1, $0x11  }
0xbd: {  	s0 =	sor.u32 s1, s0  }
0xbe: {  	s0 =	sadd.s32 $0x8F2B, s0  }
0xbf: {  	[sflag:s0] =	ssyncadd.remote.s32 $0x1  }
0xc0: {  	_ =	sfence.sel $0xFFFF  }
0xc1: {  	[dreg:$0x0] =	wrdreg $0xFFFFFFFF;
	(pc) =	sbr.abs _section_cstart, $3  }
0xc2: {  	[dreg:$0x1] =	wrdreg $0xFFFFFFFF  }
0xc3: {  	_ =	task.clear_ibuf [dreg:s8], $0x2FFFF;
	_ =	strace $0x9FFFFFFF  }
0xc4: {  	(tm) =	ssettm $0x7FFFFFFF  }
0xc5: {  	_ =	shalt  }
tec
execute0_lowered:
.L_overlay_start_1:
0x0: {  	(tag) =	ssettag $0x1  }
0x1: {  	s0 =	rddreg [dreg:$0x0]  }
0x2: {  	s2 =	rddreg [dreg:$0x1];
	s1 =	srdreg.scid  }
0x3: {  	s3 =	stileid.u32;
	s4 =	rddreg [dreg:$0x2]  }
0x4: {  	s11 =	simm.s32 $0x1;
	s1 =	sand.u32 $0x1, s1;
	s5 =	sshll.u32 s3, $0x1  }
0x5: {  	s12 =	simm.s32 $0x800;
	s13 =	simm.s32 $0x1000;
	s5 =	sor.u32 s1, s5  }
0x6: {  	s3 =	simm.s32 $0x0;
	s6 =	sshll.u32 s5, $0xF;
	s5 =	sshll.u32 s5, $0x7  }
0x7: {  	[smem:$0x7FF] =	sst s3;
	s4 =	sadd.s32 s6, s4;
	s0 =	sadd.s32 s0, s5  }
0x8: {  	_ =	strace $0x80000047;
	[dreg:$0x4] =	wrdreg s0;
	s22 =	sadd.s32 $0x1000, s4  }
0x9: {  	s14 =	simm.s32 $0x3;
	s23 =	sadd.s32 $0x1100, s4;
	[dreg:$0x5] =	wrdreg s22  }
0xa: {  	s15 =	simm.s32 $0x2;
	s24 =	sadd.s32 $0x3000, s4;
	[dreg:$0x6] =	wrdreg s23  }
0xb: {  	s16 =	simm.s32 $0x4;
	s25 =	sadd.s32 $0x3100, s4;
	[dreg:$0x7] =	wrdreg s24  }
0xc: {  	s1 =	ssub.s32 $0x2, s1;
	s26 =	sadd.s32 $0x5000, s4;
	[dreg:$0x8] =	wrdreg s25  }
0xd: {  	s29 =	sshrl.u32 s1, $0x1;
	s28 =	sadd.s32 $0x5100, s4;
	[dreg:$0x9] =	wrdreg s26  }
0xe: {  	v2 =	vlaneseq.u32;
	s1 =	ssub.s32 s1, s29;
	s30 =	sadd.s32 $0x7000, s4;
	[dreg:$0xa] =	wrdreg s28  }
0xf: {  	vm0 =	vmmov $0xffff;
	v1 =	vshrl.u32 v2, $0x3;
	s31 =	sadd.s32 $0x7100, s4;
	s4 =	smax.u32 s1, $0x1;
	[dreg:$0xb] =	wrdreg s30  }
0x10: {  	v0 =	vand.u32 $0x7, v2;
	v2 =	vor.u32 $0x8, v2;
	v1 =	vmul.u32 $0x8, v1;
	[dreg:$0xc] =	wrdreg s31;
	s25 =	simm.s32 $0x400;
	s22 =	simm.s32 $0x8400  }
.LBB2_1:
0x11: {  	s17 =	rddreg [dreg:$0x4];
	s18 =	simm.s32 $0x5  }
0x12: {  	[tilespmem:s3], [sflag:$0x5] =	stream.linear.gather [hbm4b:s17+s3], $0x400, $0x38;
	[tilespmem:$0x10400] =	vst v63  }
0x13: {  	_ =	swait.ge [sflag:s18], $0x400  }
0x14: {  	[sflag:s18] =	ssyncset.done $0x0  }
0x15: {  	[sflag:s18] =	ssyncadd.s32 $0xFFFFFC00  }
0x16: {  	v3 =	vld [tilespmem:$0x0];
	_ =	sdelay $0x4  }
0x17: {  	v4 =	vshll.u32 v3, $0x1  }
0x18: {  	v3 =	vand.u32 $0x7, v3;
	v4 =	vand.u32 $0xFFFFFFF0, v4  }
0x19: {  	v3 =	vor.u32 v3, v4  }
0x1a: {  	v4 =	vperm.xlane v3, v0;
	_ =	sdelay $0x1  }
0x1b: {  	v3 =	vperm.xlane v3, v2;
	v4 =	vadd.s32 v1, v4;
	_ =	sdelay $0x1  }
0x1c: {  	v3 =	vadd.s32 v1, v3;
	_ =	sdelay $0x2  }
0x1d: {  	[tilespmem:s25], [sflag:$0x1] =	stream.indirect_vreg.gather [hbm4b:s2+s3], $0x80, v4, vm0, $0xb8;
	[tilespmem:$0x10400] =	vst v63  }
0x1e: {  	s0 =	simm.s32 $0xC00  }
0x1f: {  	[tilespmem:s0], [sflag:$0x1] =	stream.indirect_vreg.gather [hbm4b:s2+s3], $0x80, v3, vm0, $0xb8;
	[tilespmem:$0x10400] =	vst v63  }
0x20: {  	v3 =	vld [tilespmem:$0x10];
	_ =	sdelay $0x4  }
0x21: {  	v57 =	vshll.u32 v3, $0x1  }
0x22: {  	v3 =	vand.u32 $0x7, v3;
	v4 =	vand.u32 $0xFFFFFFF0, v57  }
0x23: {  	v3 =	vor.u32 v3, v4  }
0x24: {  	v4 =	vperm.xlane v3, v0;
	_ =	sdelay $0x1  }
0x25: {  	v3 =	vperm.xlane v3, v2;
	v4 =	vadd.s32 v1, v4;
	_ =	sdelay $0x1  }
0x26: {  	v3 =	vadd.s32 v1, v3;
	_ =	sdelay $0x1  }
0x27: {  	s19 =	simm.s32 $0x1400  }
0x28: {  	[tilespmem:s19], [sflag:$0x1] =	stream.indirect_vreg.gather [hbm4b:s2+s3], $0x80, v4, vm0, $0xb8;
	[tilespmem:$0x10400] =	vst v63  }
0x29: {  	s20 =	simm.s32 $0x1C00  }
0x2a: {  	[tilespmem:s20], [sflag:$0x1] =	stream.indirect_vreg.gather [hbm4b:s2+s3], $0x80, v3, vm0, $0xb8;
	[tilespmem:$0x10400] =	vst v63  }
0x2b: {  	v3 =	vld [tilespmem:$0x20];
	_ =	sdelay $0x4  }
0x2c: {  	v58 =	vshll.u32 v3, $0x1  }
0x2d: {  	v3 =	vand.u32 $0x7, v3;
	v4 =	vand.u32 $0xFFFFFFF0, v58  }
0x2e: {  	v3 =	vor.u32 v3, v4  }
0x2f: {  	v4 =	vperm.xlane v3, v0;
	_ =	sdelay $0x1  }
0x30: {  	v3 =	vperm.xlane v3, v2;
	v4 =	vadd.s32 v1, v4;
	_ =	sdelay $0x1  }
0x31: {  	v3 =	vadd.s32 v1, v3;
	_ =	sdelay $0x1  }
0x32: {  	s21 =	simm.s32 $0x2400  }
0x33: {  	[tilespmem:s21], [sflag:$0x1] =	stream.indirect_vreg.gather [hbm4b:s2+s3], $0x80, v4, vm0, $0xb8;
	[tilespmem:$0x10400] =	vst v63  }
0x34: {  	s23 =	simm.s32 $0x2C00  }
0x35: {  	[tilespmem:s23], [sflag:$0x1] =	stream.indirect_vreg.gather [hbm4b:s2+s3], $0x80, v3, vm0, $0xb8;
	[tilespmem:$0x10400] =	vst v63  }
0x36: {  	v3 =	vld [tilespmem:$0x30];
	_ =	sdelay $0x4  }
0x37: {  	v59 =	vshll.u32 v3, $0x1  }
0x38: {  	v3 =	vand.u32 $0x7, v3;
	v4 =	vand.u32 $0xFFFFFFF0, v59  }
0x39: {  	v3 =	vor.u32 v3, v4  }
0x3a: {  	v4 =	vperm.xlane v3, v0;
	_ =	sdelay $0x1  }
0x3b: {  	v3 =	vperm.xlane v3, v2;
	v4 =	vadd.s32 v1, v4;
	_ =	sdelay $0x1  }
0x3c: {  	v3 =	vadd.s32 v1, v3;
	_ =	sdelay $0x1  }
0x3d: {  	s24 =	simm.s32 $0x3400  }
0x3e: {  	[tilespmem:s24], [sflag:$0x1] =	stream.indirect_vreg.gather [hbm4b:s2+s3], $0x80, v4, vm0, $0xb8;
	[tilespmem:$0x10400] =	vst v63  }
0x3f: {  	s26 =	simm.s32 $0x3C00  }
0x40: {  	[tilespmem:s26], [sflag:$0x1] =	stream.indirect_vreg.gather [hbm4b:s2+s3], $0x80, v3, vm0, $0xb8;
	[tilespmem:$0x10400] =	vst v63  }
0x41: {  	v3 =	vld [tilespmem:$0x40];
	_ =	sdelay $0x4  }
0x42: {  	v60 =	vshll.u32 v3, $0x1  }
0x43: {  	v3 =	vand.u32 $0x7, v3;
	v4 =	vand.u32 $0xFFFFFFF0, v60  }
0x44: {  	v3 =	vor.u32 v3, v4  }
0x45: {  	v4 =	vperm.xlane v3, v0;
	_ =	sdelay $0x1  }
0x46: {  	v3 =	vperm.xlane v3, v2;
	v4 =	vadd.s32 v1, v4;
	_ =	sdelay $0x1  }
0x47: {  	v3 =	vadd.s32 v1, v3;
	_ =	sdelay $0x1  }
0x48: {  	s28 =	simm.s32 $0x4400  }
0x49: {  	[tilespmem:s28], [sflag:$0x1] =	stream.indirect_vreg.gather [hbm4b:s2+s3], $0x80, v4, vm0, $0xb8;
	[tilespmem:$0x10400] =	vst v63  }
0x4a: {  	s29 =	simm.s32 $0x4C00  }
0x4b: {  	[tilespmem:s29], [sflag:$0x1] =	stream.indirect_vreg.gather [hbm4b:s2+s3], $0x80, v3, vm0, $0xb8;
	[tilespmem:$0x10400] =	vst v63  }
0x4c: {  	v3 =	vld [tilespmem:$0x50];
	_ =	sdelay $0x4  }
0x4d: {  	v61 =	vshll.u32 v3, $0x1  }
0x4e: {  	v3 =	vand.u32 $0x7, v3;
	v4 =	vand.u32 $0xFFFFFFF0, v61  }
0x4f: {  	v3 =	vor.u32 v3, v4  }
0x50: {  	v4 =	vperm.xlane v3, v0;
	_ =	sdelay $0x1  }
0x51: {  	v3 =	vperm.xlane v3, v2;
	v4 =	vadd.s32 v1, v4;
	_ =	sdelay $0x1  }
0x52: {  	v3 =	vadd.s32 v1, v3;
	_ =	sdelay $0x1  }
0x53: {  	s30 =	simm.s32 $0x5400  }
0x54: {  	[tilespmem:s30], [sflag:$0x1] =	stream.indirect_vreg.gather [hbm4b:s2+s3], $0x80, v4, vm0, $0xb8;
	[tilespmem:$0x10400] =	vst v63  }
0x55: {  	s31 =	simm.s32 $0x5C00  }
0x56: {  	[tilespmem:s31], [sflag:$0x1] =	stream.indirect_vreg.gather [hbm4b:s2+s3], $0x80, v3, vm0, $0xb8;
	[tilespmem:$0x10400] =	vst v63  }
0x57: {  	v3 =	vld [tilespmem:$0x60];
	_ =	sdelay $0x4  }
0x58: {  	v62 =	vshll.u32 v3, $0x1  }
0x59: {  	v3 =	vand.u32 $0x7, v3;
	v4 =	vand.u32 $0xFFFFFFF0, v62  }
0x5a: {  	v3 =	vor.u32 v3, v4  }
0x5b: {  	v4 =	vperm.xlane v3, v0;
	_ =	sdelay $0x1  }
0x5c: {  	v3 =	vperm.xlane v3, v2;
	v4 =	vadd.s32 v1, v4;
	_ =	sdelay $0x1  }
0x5d: {  	v3 =	vadd.s32 v1, v3;
	_ =	sdelay $0x1  }
0x5e: {  	s17 =	simm.s32 $0x6400  }
0x5f: {  	[tilespmem:s17], [sflag:$0x1] =	stream.indirect_vreg.gather [hbm4b:s2+s3], $0x80, v4, vm0, $0xb8;
	[tilespmem:$0x10400] =	vst v63  }
0x60: {  	s18 =	simm.s32 $0x6C00  }
0x61: {  	[tilespmem:s18], [sflag:$0x1] =	stream.indirect_vreg.gather [hbm4b:s2+s3], $0x80, v3, vm0, $0xb8;
	[tilespmem:$0x10400] =	vst v63  }
0x62: {  	v3 =	vld [tilespmem:$0x70];
	_ =	sdelay $0x4  }
0x63: {  	v63 =	vshll.u32 v3, $0x1  }
0x64: {  	v3 =	vand.u32 $0x7, v3;
	v4 =	vand.u32 $0xFFFFFFF0, v63  }
0x65: {  	v3 =	vor.u32 v3, v4  }
0x66: {  	v4 =	vperm.xlane v3, v0;
	_ =	sdelay $0x1  }
0x67: {  	v3 =	vperm.xlane v3, v2;
	v4 =	vadd.s32 v1, v4;
	_ =	sdelay $0x1  }
0x68: {  	v3 =	vadd.s32 v1, v3;
	_ =	sdelay $0x1  }
0x69: {  	s19 =	simm.s32 $0x7400  }
0x6a: {  	[tilespmem:s19], [sflag:$0x1] =	stream.indirect_vreg.gather [hbm4b:s2+s3], $0x80, v4, vm0, $0xb8;
	[tilespmem:$0x10400] =	vst v63  }
0x6b: {  	s20 =	simm.s32 $0x7C00  }
0x6c: {  	[tilespmem:s20], [sflag:$0x1] =	stream.indirect_vreg.gather [hbm4b:s2+s3], $0x80, v3, vm0, $0xb8;
	[tilespmem:$0x10400] =	vst v63  }
0x6d: {  	v3 =	vld [tilespmem:$0x80];
	_ =	sdelay $0x4  }
0x6e: {  	v8 =	vshll.u32 v3, $0x1  }
0x6f: {  	v3 =	vand.u32 $0x7, v3;
	v4 =	vand.u32 $0xFFFFFFF0, v8  }
0x70: {  	v3 =	vor.u32 v3, v4  }
0x71: {  	v4 =	vperm.xlane v3, v0;
	_ =	sdelay $0x1  }
0x72: {  	v3 =	vperm.xlane v3, v2;
	v4 =	vadd.s32 v1, v4;
	_ =	sdelay $0x1  }
0x73: {  	v3 =	vadd.s32 v1, v3;
	_ =	sdelay $0x2  }
0x74: {  	[tilespmem:s22], [sflag:$0x2] =	stream.indirect_vreg.gather [hbm4b:s2+s3], $0x80, v4, vm0, $0xb8;
	[tilespmem:$0x10400] =	vst v63  }
0x75: {  	s21 =	simm.s32 $0x8C00  }
0x76: {  	[tilespmem:s21], [sflag:$0x2] =	stream.indirect_vreg.gather [hbm4b:s2+s3], $0x80, v3, vm0, $0xb8;
	[tilespmem:$0x10400] =	vst v63  }
0x77: {  	v3 =	vld [tilespmem:$0x90];
	_ =	sdelay $0x4  }
0x78: {  	v9 =	vshll.u32 v3, $0x1  }
0x79: {  	v3 =	vand.u32 $0x7, v3;
	v4 =	vand.u32 $0xFFFFFFF0, v9  }
0x7a: {  	v3 =	vor.u32 v3, v4  }
0x7b: {  	v4 =	vperm.xlane v3, v0;
	_ =	sdelay $0x1  }
0x7c: {  	v3 =	vperm.xlane v3, v2;
	v4 =	vadd.s32 v1, v4;
	_ =	sdelay $0x1  }
0x7d: {  	v3 =	vadd.s32 v1, v3;
	_ =	sdelay $0x1  }
0x7e: {  	s23 =	simm.s32 $0x9400  }
0x7f: {  	[tilespmem:s23], [sflag:$0x2] =	stream.indirect_vreg.gather [hbm4b:s2+s3], $0x80, v4, vm0, $0xb8;
	[tilespmem:$0x10400] =	vst v63  }
0x80: {  	s24 =	simm.s32 $0x9C00  }
0x81: {  	[tilespmem:s24], [sflag:$0x2] =	stream.indirect_vreg.gather [hbm4b:s2+s3], $0x80, v3, vm0, $0xb8;
	[tilespmem:$0x10400] =	vst v63  }
0x82: {  	v3 =	vld [tilespmem:$0xA0];
	_ =	sdelay $0x4  }
0x83: {  	v10 =	vshll.u32 v3, $0x1  }
0x84: {  	v3 =	vand.u32 $0x7, v3;
	v4 =	vand.u32 $0xFFFFFFF0, v10  }
0x85: {  	v3 =	vor.u32 v3, v4  }
0x86: {  	v4 =	vperm.xlane v3, v0;
	_ =	sdelay $0x1  }
0x87: {  	v3 =	vperm.xlane v3, v2;
	v4 =	vadd.s32 v1, v4;
	_ =	sdelay $0x1  }
0x88: {  	v3 =	vadd.s32 v1, v3;
	_ =	sdelay $0x1  }
0x89: {  	s26 =	simm.s32 $0xA400  }
0x8a: {  	[tilespmem:s26], [sflag:$0x2] =	stream.indirect_vreg.gather [hbm4b:s2+s3], $0x80, v4, vm0, $0xb8;
	[tilespmem:$0x10400] =	vst v63  }
0x8b: {  	s28 =	simm.s32 $0xAC00  }
0x8c: {  	[tilespmem:s28], [sflag:$0x2] =	stream.indirect_vreg.gather [hbm4b:s2+s3], $0x80, v3, vm0, $0xb8;
	[tilespmem:$0x10400] =	vst v63  }
0x8d: {  	v3 =	vld [tilespmem:$0xB0];
	_ =	sdelay $0x4  }
0x8e: {  	v11 =	vshll.u32 v3, $0x1  }
0x8f: {  	v3 =	vand.u32 $0x7, v3;
	v4 =	vand.u32 $0xFFFFFFF0, v11  }
0x90: {  	v3 =	vor.u32 v3, v4  }
0x91: {  	v4 =	vperm.xlane v3, v0;
	_ =	sdelay $0x1  }
0x92: {  	v3 =	vperm.xlane v3, v2;
	v4 =	vadd.s32 v1, v4;
	_ =	sdelay $0x1  }
0x93: {  	v3 =	vadd.s32 v1, v3;
	_ =	sdelay $0x1  }
0x94: {  	s29 =	simm.s32 $0xB400  }
0x95: {  	[tilespmem:s29], [sflag:$0x2] =	stream.indirect_vreg.gather [hbm4b:s2+s3], $0x80, v4, vm0, $0xb8;
	[tilespmem:$0x10400] =	vst v63  }
0x96: {  	s30 =	simm.s32 $0xBC00  }
0x97: {  	[tilespmem:s30], [sflag:$0x2] =	stream.indirect_vreg.gather [hbm4b:s2+s3], $0x80, v3, vm0, $0xb8;
	[tilespmem:$0x10400] =	vst v63  }
0x98: {  	v3 =	vld [tilespmem:$0xC0];
	_ =	sdelay $0x4  }
0x99: {  	v12 =	vshll.u32 v3, $0x1  }
0x9a: {  	v3 =	vand.u32 $0x7, v3;
	v4 =	vand.u32 $0xFFFFFFF0, v12  }
0x9b: {  	v3 =	vor.u32 v3, v4  }
0x9c: {  	v4 =	vperm.xlane v3, v0;
	_ =	sdelay $0x1  }
0x9d: {  	v3 =	vperm.xlane v3, v2;
	v4 =	vadd.s32 v1, v4;
	_ =	sdelay $0x1  }
0x9e: {  	v3 =	vadd.s32 v1, v3;
	_ =	sdelay $0x1  }
0x9f: {  	s0 =	simm.s32 $0xC400  }
0xa0: {  	[tilespmem:s0], [sflag:$0x2] =	stream.indirect_vreg.gather [hbm4b:s2+s3], $0x80, v4, vm0, $0xb8;
	[tilespmem:$0x10400] =	vst v63  }
0xa1: {  	s20 =	simm.s32 $0xCC00  }
0xa2: {  	[tilespmem:s20], [sflag:$0x2] =	stream.indirect_vreg.gather [hbm4b:s2+s3], $0x80, v3, vm0, $0xb8;
	[tilespmem:$0x10400] =	vst v63  }
0xa3: {  	v3 =	vld [tilespmem:$0xD0];
	_ =	sdelay $0x4  }
0xa4: {  	v13 =	vshll.u32 v3, $0x1  }
0xa5: {  	v3 =	vand.u32 $0x7, v3;
	v4 =	vand.u32 $0xFFFFFFF0, v13  }
0xa6: {  	v3 =	vor.u32 v3, v4  }
0xa7: {  	v4 =	vperm.xlane v3, v0;
	_ =	sdelay $0x1  }
0xa8: {  	v3 =	vperm.xlane v3, v2;
	v4 =	vadd.s32 v1, v4;
	_ =	sdelay $0x1  }
0xa9: {  	v3 =	vadd.s32 v1, v3;
	_ =	sdelay $0x1  }
0xaa: {  	s21 =	simm.s32 $0xD400  }
0xab: {  	[tilespmem:s21], [sflag:$0x2] =	stream.indirect_vreg.gather [hbm4b:s2+s3], $0x80, v4, vm0, $0xb8;
	[tilespmem:$0x10400] =	vst v63  }
0xac: {  	s23 =	simm.s32 $0xDC00  }
0xad: {  	[tilespmem:s23], [sflag:$0x2] =	stream.indirect_vreg.gather [hbm4b:s2+s3], $0x80, v3, vm0, $0xb8;
	[tilespmem:$0x10400] =	vst v63  }
0xae: {  	v3 =	vld [tilespmem:$0xE0];
	_ =	sdelay $0x4  }
0xaf: {  	v14 =	vshll.u32 v3, $0x1  }
0xb0: {  	v3 =	vand.u32 $0x7, v3;
	v4 =	vand.u32 $0xFFFFFFF0, v14  }
0xb1: {  	v3 =	vor.u32 v3, v4  }
0xb2: {  	v4 =	vperm.xlane v3, v0;
	_ =	sdelay $0x1  }
0xb3: {  	v3 =	vperm.xlane v3, v2;
	v4 =	vadd.s32 v1, v4;
	_ =	sdelay $0x1  }
0xb4: {  	v3 =	vadd.s32 v1, v3;
	_ =	sdelay $0x1  }
0xb5: {  	s24 =	simm.s32 $0xE400  }
0xb6: {  	[tilespmem:s24], [sflag:$0x2] =	stream.indirect_vreg.gather [hbm4b:s2+s3], $0x80, v4, vm0, $0xb8;
	[tilespmem:$0x10400] =	vst v63  }
0xb7: {  	s28 =	simm.s32 $0xEC00  }
0xb8: {  	[tilespmem:s28], [sflag:$0x2] =	stream.indirect_vreg.gather [hbm4b:s2+s3], $0x80, v3, vm0, $0xb8;
	[tilespmem:$0x10400] =	vst v63  }
0xb9: {  	v3 =	vld [tilespmem:$0xF0];
	_ =	sdelay $0x4  }
0xba: {  	v15 =	vshll.u32 v3, $0x1  }
0xbb: {  	v3 =	vand.u32 $0x7, v3;
	v4 =	vand.u32 $0xFFFFFFF0, v15  }
0xbc: {  	v3 =	vor.u32 v3, v4  }
0xbd: {  	v4 =	vperm.xlane v3, v0;
	_ =	sdelay $0x1  }
0xbe: {  	v3 =	vperm.xlane v3, v2;
	v4 =	vadd.s32 v1, v4;
	_ =	sdelay $0x1  }
0xbf: {  	v3 =	vadd.s32 v1, v3;
	_ =	sdelay $0x1  }
0xc0: {  	s29 =	simm.s32 $0xF400  }
0xc1: {  	[tilespmem:s29], [sflag:$0x2] =	stream.indirect_vreg.gather [hbm4b:s2+s3], $0x80, v4, vm0, $0xb8;
	[tilespmem:$0x10400] =	vst v63  }
0xc2: {  	s30 =	simm.s32 $0xFC00  }
0xc3: {  	[tilespmem:s30], [sflag:$0x2] =	stream.indirect_vreg.gather [hbm4b:s2+s3], $0x80, v3, vm0, $0xb8;
	[tilespmem:$0x10400] =	vst v63  }
0xc4: {  	_ =	swait.ge [sflag:s11], $0x8000  }
0xc5: {  	[sflag:s11] =	ssyncset.done $0x0  }
0xc6: {  	s0 =	rddreg [dreg:$0x5];
	[sflag:s11] =	ssyncadd.s32 $0xFFFF8000  }
0xc7: {  	[hbm4b:s0+s12] =	stream.strided.scatter [tilespmem:s25], [sflag:$0x3], $0x8000, s13, s12, $0x38;
	[tilespmem:$0x10400] =	vst v63  }
0xc8: {  	_ =	swait.ge [sflag:s14], $0x8000  }
0xc9: {  	[sflag:s14] =	ssyncset.done $0x0  }
0xca: {  	[sflag:s14] =	ssyncadd.s32 $0xFFFF8000  }
0xcb: {  	v3 =	vld [tilespmem:$0x100];
	_ =	sdelay $0x4  }
0xcc: {  	v16 =	vshll.u32 v3, $0x1  }
0xcd: {  	v3 =	vand.u32 $0x7, v3;
	v4 =	vand.u32 $0xFFFFFFF0, v16  }
0xce: {  	v3 =	vor.u32 v3, v4  }
0xcf: {  	v4 =	vperm.xlane v3, v0;
	_ =	sdelay $0x1  }
0xd0: {  	v3 =	vperm.xlane v3, v2;
	v4 =	vadd.s32 v1, v4;
	_ =	sdelay $0x1  }
0xd1: {  	v3 =	vadd.s32 v1, v3;
	_ =	sdelay $0x2  }
0xd2: {  	[tilespmem:s25], [sflag:$0x1] =	stream.indirect_vreg.gather [hbm4b:s2+s3], $0x80, v4, vm0, $0xb8;
	[tilespmem:$0x10400] =	vst v63  }
0xd3: {  	s6 =	simm.s32 $0xC00  }
0xd4: {  	[tilespmem:s6], [sflag:$0x1] =	stream.indirect_vreg.gather [hbm4b:s2+s3], $0x80, v3, vm0, $0xb8;
	[tilespmem:$0x10400] =	vst v63  }
0xd5: {  	v3 =	vld [tilespmem:$0x110];
	_ =	sdelay $0x4  }
0xd6: {  	v17 =	vshll.u32 v3, $0x1  }
0xd7: {  	v3 =	vand.u32 $0x7, v3;
	v4 =	vand.u32 $0xFFFFFFF0, v17  }
0xd8: {  	v3 =	vor.u32 v3, v4  }
0xd9: {  	v4 =	vperm.xlane v3, v0;
	_ =	sdelay $0x1  }
0xda: {  	v3 =	vperm.xlane v3, v2;
	v4 =	vadd.s32 v1, v4;
	_ =	sdelay $0x1  }
0xdb: {  	v3 =	vadd.s32 v1, v3;
	_ =	sdelay $0x1  }
0xdc: {  	s1 =	simm.s32 $0x1400  }
0xdd: {  	[tilespmem:s1], [sflag:$0x1] =	stream.indirect_vreg.gather [hbm4b:s2+s3], $0x80, v4, vm0, $0xb8;
	[tilespmem:$0x10400] =	vst v63  }
0xde: {  	s7 =	simm.s32 $0x1C00  }
0xdf: {  	[tilespmem:s7], [sflag:$0x1] =	stream.indirect_vreg.gather [hbm4b:s2+s3], $0x80, v3, vm0, $0xb8;
	[tilespmem:$0x10400] =	vst v63  }
0xe0: {  	v3 =	vld [tilespmem:$0x120];
	_ =	sdelay $0x4  }
0xe1: {  	v18 =	vshll.u32 v3, $0x1  }
0xe2: {  	v3 =	vand.u32 $0x7, v3;
	v4 =	vand.u32 $0xFFFFFFF0, v18  }
0xe3: {  	v3 =	vor.u32 v3, v4  }
0xe4: {  	v4 =	vperm.xlane v3, v0;
	_ =	sdelay $0x1  }
0xe5: {  	v3 =	vperm.xlane v3, v2;
	v4 =	vadd.s32 v1, v4;
	_ =	sdelay $0x1  }
0xe6: {  	v3 =	vadd.s32 v1, v3;
	_ =	sdelay $0x1  }
0xe7: {  	s5 =	simm.s32 $0x2400  }
0xe8: {  	[tilespmem:s5], [sflag:$0x1] =	stream.indirect_vreg.gather [hbm4b:s2+s3], $0x80, v4, vm0, $0xb8;
	[tilespmem:$0x10400] =	vst v63  }
0xe9: {  	s28 =	simm.s32 $0x2C00  }
0xea: {  	[tilespmem:s28], [sflag:$0x1] =	stream.indirect_vreg.gather [hbm4b:s2+s3], $0x80, v3, vm0, $0xb8;
	[tilespmem:$0x10400] =	vst v63  }
0xeb: {  	v3 =	vld [tilespmem:$0x130];
	_ =	sdelay $0x4  }
0xec: {  	v19 =	vshll.u32 v3, $0x1  }
0xed: {  	v3 =	vand.u32 $0x7, v3;
	v4 =	vand.u32 $0xFFFFFFF0, v19  }
0xee: {  	v3 =	vor.u32 v3, v4  }
0xef: {  	v4 =	vperm.xlane v3, v0;
	_ =	sdelay $0x1  }
0xf0: {  	v3 =	vperm.xlane v3, v2;
	v4 =	vadd.s32 v1, v4;
	_ =	sdelay $0x1  }
0xf1: {  	v3 =	vadd.s32 v1, v3;
	_ =	sdelay $0x1  }
0xf2: {  	s6 =	simm.s32 $0x3400  }
0xf3: {  	[tilespmem:s6], [sflag:$0x1] =	stream.indirect_vreg.gather [hbm4b:s2+s3], $0x80, v4, vm0, $0xb8;
	[tilespmem:$0x10400] =	vst v63  }
0xf4: {  	s9 =	simm.s32 $0x3C00  }
0xf5: {  	[tilespmem:s9], [sflag:$0x1] =	stream.indirect_vreg.gather [hbm4b:s2+s3], $0x80, v3, vm0, $0xb8;
	[tilespmem:$0x10400] =	vst v63  }
0xf6: {  	v3 =	vld [tilespmem:$0x140];
	_ =	sdelay $0x4  }
0xf7: {  	v20 =	vshll.u32 v3, $0x1  }
0xf8: {  	v3 =	vand.u32 $0x7, v3;
	v4 =	vand.u32 $0xFFFFFFF0, v20  }
0xf9: {  	v3 =	vor.u32 v3, v4  }
0xfa: {  	v4 =	vperm.xlane v3, v0;
	_ =	sdelay $0x1  }
0xfb: {  	v3 =	vperm.xlane v3, v2;
	v4 =	vadd.s32 v1, v4;
	_ =	sdelay $0x1  }
0xfc: {  	v3 =	vadd.s32 v1, v3;
	_ =	sdelay $0x1  }
0xfd: {  	s7 =	simm.s32 $0x4400  }
0xfe: {  	[tilespmem:s7], [sflag:$0x1] =	stream.indirect_vreg.gather [hbm4b:s2+s3], $0x80, v4, vm0, $0xb8;
	[tilespmem:$0x10400] =	vst v63  }
0xff: {  	s10 =	simm.s32 $0x4C00  }
0x100: {  	[tilespmem:s10], [sflag:$0x1] =	stream.indirect_vreg.gather [hbm4b:s2+s3], $0x80, v3, vm0, $0xb8;
	[tilespmem:$0x10400] =	vst v63  }
0x101: {  	v3 =	vld [tilespmem:$0x150];
	_ =	sdelay $0x4  }
0x102: {  	v21 =	vshll.u32 v3, $0x1  }
0x103: {  	v3 =	vand.u32 $0x7, v3;
	v4 =	vand.u32 $0xFFFFFFF0, v21  }
0x104: {  	v3 =	vor.u32 v3, v4  }
0x105: {  	v4 =	vperm.xlane v3, v0;
	_ =	sdelay $0x1  }
0x106: {  	v3 =	vperm.xlane v3, v2;
	v4 =	vadd.s32 v1, v4;
	_ =	sdelay $0x1  }
0x107: {  	v3 =	vadd.s32 v1, v3;
	_ =	sdelay $0x1  }
0x108: {  	s8 =	simm.s32 $0x5400  }
0x109: {  	[tilespmem:s8], [sflag:$0x1] =	stream.indirect_vreg.gather [hbm4b:s2+s3], $0x80, v4, vm0, $0xb8;
	[tilespmem:$0x10400] =	vst v63  }
0x10a: {  	s31 =	simm.s32 $0x5C00  }
0x10b: {  	[tilespmem:s31], [sflag:$0x1] =	stream.indirect_vreg.gather [hbm4b:s2+s3], $0x80, v3, vm0, $0xb8;
	[tilespmem:$0x10400] =	vst v63  }
0x10c: {  	v3 =	vld [tilespmem:$0x160];
	_ =	sdelay $0x4  }
0x10d: {  	v22 =	vshll.u32 v3, $0x1  }
0x10e: {  	v3 =	vand.u32 $0x7, v3;
	v4 =	vand.u32 $0xFFFFFFF0, v22  }
0x10f: {  	v3 =	vor.u32 v3, v4  }
0x110: {  	v4 =	vperm.xlane v3, v0;
	_ =	sdelay $0x1  }
0x111: {  	v3 =	vperm.xlane v3, v2;
	v4 =	vadd.s32 v1, v4;
	_ =	sdelay $0x1  }
0x112: {  	v3 =	vadd.s32 v1, v3;
	_ =	sdelay $0x1  }
0x113: {  	s9 =	simm.s32 $0x6400  }
0x114: {  	[tilespmem:s9], [sflag:$0x1] =	stream.indirect_vreg.gather [hbm4b:s2+s3], $0x80, v4, vm0, $0xb8;
	[tilespmem:$0x10400] =	vst v63  }
0x115: {  	s10 =	simm.s32 $0x6C00  }
0x116: {  	[tilespmem:s10], [sflag:$0x1] =	stream.indirect_vreg.gather [hbm4b:s2+s3], $0x80, v3, vm0, $0xb8;
	[tilespmem:$0x10400] =	vst v63  }
0x117: {  	v3 =	vld [tilespmem:$0x170];
	_ =	sdelay $0x4  }
0x118: {  	v23 =	vshll.u32 v3, $0x1  }
0x119: {  	v3 =	vand.u32 $0x7, v3;
	v4 =	vand.u32 $0xFFFFFFF0, v23  }
0x11a: {  	v3 =	vor.u32 v3, v4  }
0x11b: {  	v4 =	vperm.xlane v3, v0;
	_ =	sdelay $0x1  }
0x11c: {  	v3 =	vperm.xlane v3, v2;
	v4 =	vadd.s32 v1, v4;
	_ =	sdelay $0x1  }
0x11d: {  	v3 =	vadd.s32 v1, v3;
	_ =	sdelay $0x1  }
0x11e: {  	s8 =	simm.s32 $0x7400  }
0x11f: {  	[tilespmem:s8], [sflag:$0x1] =	stream.indirect_vreg.gather [hbm4b:s2+s3], $0x80, v4, vm0, $0xb8;
	[tilespmem:$0x10400] =	vst v63  }
0x120: {  	s31 =	simm.s32 $0x7C00  }
0x121: {  	[tilespmem:s31], [sflag:$0x1] =	stream.indirect_vreg.gather [hbm4b:s2+s3], $0x80, v3, vm0, $0xb8;
	[tilespmem:$0x10400] =	vst v63  }
0x122: {  	_ =	swait.ge [sflag:s15], $0x8000  }
0x123: {  	[sflag:s15] =	ssyncset.done $0x0  }
0x124: {  	s5 =	rddreg [dreg:$0x6];
	[sflag:s15] =	ssyncadd.s32 $0xFFFF8000  }
0x125: {  	[hbm4b:s5+s12] =	stream.strided.scatter [tilespmem:s22], [sflag:$0x4], $0x8000, s13, s12, $0x38;
	[tilespmem:$0x10400] =	vst v63  }
0x126: {  	_ =	swait.ge [sflag:s16], $0x8000  }
0x127: {  	[sflag:s16] =	ssyncset.done $0x0  }
0x128: {  	[sflag:s16] =	ssyncadd.s32 $0xFFFF8000  }
0x129: {  	v3 =	vld [tilespmem:$0x180];
	_ =	sdelay $0x4  }
0x12a: {  	v24 =	vshll.u32 v3, $0x1  }
0x12b: {  	v3 =	vand.u32 $0x7, v3;
	v4 =	vand.u32 $0xFFFFFFF0, v24  }
0x12c: {  	v3 =	vor.u32 v3, v4  }
0x12d: {  	v4 =	vperm.xlane v3, v0;
	_ =	sdelay $0x1  }
0x12e: {  	v3 =	vperm.xlane v3, v2;
	v4 =	vadd.s32 v1, v4;
	_ =	sdelay $0x1  }
0x12f: {  	v3 =	vadd.s32 v1, v3;
	_ =	sdelay $0x2  }
0x130: {  	[tilespmem:s22], [sflag:$0x2] =	stream.indirect_vreg.gather [hbm4b:s2+s3], $0x80, v4, vm0, $0xb8;
	[tilespmem:$0x10400] =	vst v63  }
0x131: {  	s1 =	simm.s32 $0x8C00  }
0x132: {  	[tilespmem:s1], [sflag:$0x2] =	stream.indirect_vreg.gather [hbm4b:s2+s3], $0x80, v3, vm0, $0xb8;
	[tilespmem:$0x10400] =	vst v63  }
0x133: {  	v3 =	vld [tilespmem:$0x190];
	_ =	sdelay $0x4  }
0x134: {  	v25 =	vshll.u32 v3, $0x1  }
0x135: {  	v3 =	vand.u32 $0x7, v3;
	v4 =	vand.u32 $0xFFFFFFF0, v25  }
0x136: {  	v3 =	vor.u32 v3, v4  }
0x137: {  	v4 =	vperm.xlane v3, v0;
	_ =	sdelay $0x1  }
0x138: {  	v3 =	vperm.xlane v3, v2;
	v4 =	vadd.s32 v1, v4;
	_ =	sdelay $0x1  }
0x139: {  	v3 =	vadd.s32 v1, v3;
	_ =	sdelay $0x1  }
0x13a: {  	s0 =	simm.s32 $0x9400  }
0x13b: {  	[tilespmem:s0], [sflag:$0x2] =	stream.indirect_vreg.gather [hbm4b:s2+s3], $0x80, v4, vm0, $0xb8;
	[tilespmem:$0x10400] =	vst v63  }
0x13c: {  	s5 =	simm.s32 $0x9C00  }
0x13d: {  	[tilespmem:s5], [sflag:$0x2] =	stream.indirect_vreg.gather [hbm4b:s2+s3], $0x80, v3, vm0, $0xb8;
	[tilespmem:$0x10400] =	vst v63  }
0x13e: {  	v3 =	vld [tilespmem:$0x1A0];
	_ =	sdelay $0x4  }
0x13f: {  	v26 =	vshll.u32 v3, $0x1  }
0x140: {  	v3 =	vand.u32 $0x7, v3;
	v4 =	vand.u32 $0xFFFFFFF0, v26  }
0x141: {  	v3 =	vor.u32 v3, v4  }
0x142: {  	v4 =	vperm.xlane v3, v0;
	_ =	sdelay $0x1  }
0x143: {  	v3 =	vperm.xlane v3, v2;
	v4 =	vadd.s32 v1, v4;
	_ =	sdelay $0x1  }
0x144: {  	v3 =	vadd.s32 v1, v3;
	_ =	sdelay $0x1  }
0x145: {  	s26 =	simm.s32 $0xA400  }
0x146: {  	[tilespmem:s26], [sflag:$0x2] =	stream.indirect_vreg.gather [hbm4b:s2+s3], $0x80, v4, vm0, $0xb8;
	[tilespmem:$0x10400] =	vst v63  }
0x147: {  	s18 =	simm.s32 $0xAC00  }
0x148: {  	[tilespmem:s18], [sflag:$0x2] =	stream.indirect_vreg.gather [hbm4b:s2+s3], $0x80, v3, vm0, $0xb8;
	[tilespmem:$0x10400] =	vst v63  }
0x149: {  	v3 =	vld [tilespmem:$0x1B0];
	_ =	sdelay $0x4  }
0x14a: {  	v27 =	vshll.u32 v3, $0x1  }
0x14b: {  	v3 =	vand.u32 $0x7, v3;
	v4 =	vand.u32 $0xFFFFFFF0, v27  }
0x14c: {  	v3 =	vor.u32 v3, v4  }
0x14d: {  	v4 =	vperm.xlane v3, v0;
	_ =	sdelay $0x1  }
0x14e: {  	v3 =	vperm.xlane v3, v2;
	v4 =	vadd.s32 v1, v4;
	_ =	sdelay $0x1  }
0x14f: {  	v3 =	vadd.s32 v1, v3;
	_ =	sdelay $0x1  }
0x150: {  	s18 =	simm.s32 $0xB400  }
0x151: {  	[tilespmem:s18], [sflag:$0x2] =	stream.indirect_vreg.gather [hbm4b:s2+s3], $0x80, v4, vm0, $0xb8;
	[tilespmem:$0x10400] =	vst v63  }
0x152: {  	s19 =	simm.s32 $0xBC00  }
0x153: {  	[tilespmem:s19], [sflag:$0x2] =	stream.indirect_vreg.gather [hbm4b:s2+s3], $0x80, v3, vm0, $0xb8;
	[tilespmem:$0x10400] =	vst v63  }
0x154: {  	v3 =	vld [tilespmem:$0x1C0];
	_ =	sdelay $0x4  }
0x155: {  	v28 =	vshll.u32 v3, $0x1  }
0x156: {  	v3 =	vand.u32 $0x7, v3;
	v4 =	vand.u32 $0xFFFFFFF0, v28  }
0x157: {  	v3 =	vor.u32 v3, v4  }
0x158: {  	v4 =	vperm.xlane v3, v0;
	_ =	sdelay $0x1  }
0x159: {  	v3 =	vperm.xlane v3, v2;
	v4 =	vadd.s32 v1, v4;
	_ =	sdelay $0x1  }
0x15a: {  	v3 =	vadd.s32 v1, v3;
	_ =	sdelay $0x1  }
0x15b: {  	s19 =	simm.s32 $0xC400  }
0x15c: {  	[tilespmem:s19], [sflag:$0x2] =	stream.indirect_vreg.gather [hbm4b:s2+s3], $0x80, v4, vm0, $0xb8;
	[tilespmem:$0x10400] =	vst v63  }
0x15d: {  	s20 =	simm.s32 $0xCC00  }
0x15e: {  	[tilespmem:s20], [sflag:$0x2] =	stream.indirect_vreg.gather [hbm4b:s2+s3], $0x80, v3, vm0, $0xb8;
	[tilespmem:$0x10400] =	vst v63  }
0x15f: {  	v3 =	vld [tilespmem:$0x1D0];
	_ =	sdelay $0x4  }
0x160: {  	v29 =	vshll.u32 v3, $0x1  }
0x161: {  	v3 =	vand.u32 $0x7, v3;
	v4 =	vand.u32 $0xFFFFFFF0, v29  }
0x162: {  	v3 =	vor.u32 v3, v4  }
0x163: {  	v4 =	vperm.xlane v3, v0;
	_ =	sdelay $0x1  }
0x164: {  	v3 =	vperm.xlane v3, v2;
	v4 =	vadd.s32 v1, v4;
	_ =	sdelay $0x1  }
0x165: {  	v3 =	vadd.s32 v1, v3;
	_ =	sdelay $0x1  }
0x166: {  	s20 =	simm.s32 $0xD400  }
0x167: {  	[tilespmem:s20], [sflag:$0x2] =	stream.indirect_vreg.gather [hbm4b:s2+s3], $0x80, v4, vm0, $0xb8;
	[tilespmem:$0x10400] =	vst v63  }
0x168: {  	s21 =	simm.s32 $0xDC00  }
0x169: {  	[tilespmem:s21], [sflag:$0x2] =	stream.indirect_vreg.gather [hbm4b:s2+s3], $0x80, v3, vm0, $0xb8;
	[tilespmem:$0x10400] =	vst v63  }
0x16a: {  	v3 =	vld [tilespmem:$0x1E0];
	_ =	sdelay $0x4  }
0x16b: {  	v30 =	vshll.u32 v3, $0x1  }
0x16c: {  	v3 =	vand.u32 $0x7, v3;
	v4 =	vand.u32 $0xFFFFFFF0, v30  }
0x16d: {  	v3 =	vor.u32 v3, v4  }
0x16e: {  	v4 =	vperm.xlane v3, v0;
	_ =	sdelay $0x1  }
0x16f: {  	v3 =	vperm.xlane v3, v2;
	v4 =	vadd.s32 v1, v4;
	_ =	sdelay $0x1  }
0x170: {  	v3 =	vadd.s32 v1, v3;
	_ =	sdelay $0x1  }
0x171: {  	s21 =	simm.s32 $0xE400  }
0x172: {  	[tilespmem:s21], [sflag:$0x2] =	stream.indirect_vreg.gather [hbm4b:s2+s3], $0x80, v4, vm0, $0xb8;
	[tilespmem:$0x10400] =	vst v63  }
0x173: {  	s23 =	simm.s32 $0xEC00  }
0x174: {  	[tilespmem:s23], [sflag:$0x2] =	stream.indirect_vreg.gather [hbm4b:s2+s3], $0x80, v3, vm0, $0xb8;
	[tilespmem:$0x10400] =	vst v63  }
0x175: {  	v3 =	vld [tilespmem:$0x1F0];
	_ =	sdelay $0x4  }
0x176: {  	v31 =	vshll.u32 v3, $0x1  }
0x177: {  	v3 =	vand.u32 $0x7, v3;
	v4 =	vand.u32 $0xFFFFFFF0, v31  }
0x178: {  	v3 =	vor.u32 v3, v4  }
0x179: {  	v4 =	vperm.xlane v3, v0;
	_ =	sdelay $0x1  }
0x17a: {  	v3 =	vperm.xlane v3, v2;
	v4 =	vadd.s32 v1, v4;
	_ =	sdelay $0x1  }
0x17b: {  	v3 =	vadd.s32 v1, v3;
	_ =	sdelay $0x1  }
0x17c: {  	s23 =	simm.s32 $0xF400  }
0x17d: {  	[tilespmem:s23], [sflag:$0x2] =	stream.indirect_vreg.gather [hbm4b:s2+s3], $0x80, v4, vm0, $0xb8;
	[tilespmem:$0x10400] =	vst v63  }
0x17e: {  	s24 =	simm.s32 $0xFC00  }
0x17f: {  	[tilespmem:s24], [sflag:$0x2] =	stream.indirect_vreg.gather [hbm4b:s2+s3], $0x80, v3, vm0, $0xb8;
	[tilespmem:$0x10400] =	vst v63  }
0x180: {  	_ =	swait.ge [sflag:s11], $0x8000  }
0x181: {  	[sflag:s11] =	ssyncset.done $0x0  }
0x182: {  	s24 =	rddreg [dreg:$0x7];
	[sflag:s11] =	ssyncadd.s32 $0xFFFF8000  }
0x183: {  	[hbm4b:s24+s12] =	stream.strided.scatter [tilespmem:s25], [sflag:$0x3], $0x8000, s13, s12, $0x38;
	[tilespmem:$0x10400] =	vst v63  }
0x184: {  	_ =	swait.ge [sflag:s14], $0x8000  }
0x185: {  	[sflag:s14] =	ssyncset.done $0x0  }
0x186: {  	[sflag:s14] =	ssyncadd.s32 $0xFFFF8000  }
0x187: {  	v3 =	vld [tilespmem:$0x200];
	_ =	sdelay $0x4  }
0x188: {  	v32 =	vshll.u32 v3, $0x1  }
0x189: {  	v3 =	vand.u32 $0x7, v3;
	v4 =	vand.u32 $0xFFFFFFF0, v32  }
0x18a: {  	v3 =	vor.u32 v3, v4  }
0x18b: {  	v4 =	vperm.xlane v3, v0;
	_ =	sdelay $0x1  }
0x18c: {  	v3 =	vperm.xlane v3, v2;
	v4 =	vadd.s32 v1, v4;
	_ =	sdelay $0x1  }
0x18d: {  	v3 =	vadd.s32 v1, v3;
	_ =	sdelay $0x2  }
0x18e: {  	[tilespmem:s25], [sflag:$0x1] =	stream.indirect_vreg.gather [hbm4b:s2+s3], $0x80, v4, vm0, $0xb8;
	[tilespmem:$0x10400] =	vst v63  }
0x18f: {  	s24 =	simm.s32 $0xC00  }
0x190: {  	[tilespmem:s24], [sflag:$0x1] =	stream.indirect_vreg.gather [hbm4b:s2+s3], $0x80, v3, vm0, $0xb8;
	[tilespmem:$0x10400] =	vst v63  }
0x191: {  	v3 =	vld [tilespmem:$0x210];
	_ =	sdelay $0x4  }
0x192: {  	v33 =	vshll.u32 v3, $0x1  }
0x193: {  	v3 =	vand.u32 $0x7, v3;
	v4 =	vand.u32 $0xFFFFFFF0, v33  }
0x194: {  	v3 =	vor.u32 v3, v4  }
0x195: {  	v4 =	vperm.xlane v3, v0;
	_ =	sdelay $0x1  }
0x196: {  	v3 =	vperm.xlane v3, v2;
	v4 =	vadd.s32 v1, v4;
	_ =	sdelay $0x1  }
0x197: {  	v3 =	vadd.s32 v1, v3;
	_ =	sdelay $0x1  }
0x198: {  	s30 =	simm.s32 $0x1400  }
0x199: {  	[tilespmem:s30], [sflag:$0x1] =	stream.indirect_vreg.gather [hbm4b:s2+s3], $0x80, v4, vm0, $0xb8;
	[tilespmem:$0x10400] =	vst v63  }
0x19a: {  	s30 =	simm.s32 $0x1C00  }
0x19b: {  	[tilespmem:s30], [sflag:$0x1] =	stream.indirect_vreg.gather [hbm4b:s2+s3], $0x80, v3, vm0, $0xb8;
	[tilespmem:$0x10400] =	vst v63  }
0x19c: {  	v3 =	vld [tilespmem:$0x220];
	_ =	sdelay $0x4  }
0x19d: {  	v34 =	vshll.u32 v3, $0x1  }
0x19e: {  	v3 =	vand.u32 $0x7, v3;
	v4 =	vand.u32 $0xFFFFFFF0, v34  }
0x19f: {  	v3 =	vor.u32 v3, v4  }
0x1a0: {  	v4 =	vperm.xlane v3, v0;
	_ =	sdelay $0x1  }
0x1a1: {  	v3 =	vperm.xlane v3, v2;
	v4 =	vadd.s32 v1, v4;
	_ =	sdelay $0x1  }
0x1a2: {  	v3 =	vadd.s32 v1, v3;
	_ =	sdelay $0x1  }
0x1a3: {  	s24 =	simm.s32 $0x2400  }
0x1a4: {  	[tilespmem:s24], [sflag:$0x1] =	stream.indirect_vreg.gather [hbm4b:s2+s3], $0x80, v4, vm0, $0xb8;
	[tilespmem:$0x10400] =	vst v63  }
0x1a5: {  	_ = 	snop  }
0x1a6: {  	[tilespmem:s28], [sflag:$0x1] =	stream.indirect_vreg.gather [hbm4b:s2+s3], $0x80, v3, vm0, $0xb8;
	[tilespmem:$0x10400] =	vst v63  }
0x1a7: {  	v3 =	vld [tilespmem:$0x230];
	_ =	sdelay $0x4  }
0x1a8: {  	v35 =	vshll.u32 v3, $0x1  }
0x1a9: {  	v3 =	vand.u32 $0x7, v3;
	v4 =	vand.u32 $0xFFFFFFF0, v35  }
0x1aa: {  	v3 =	vor.u32 v3, v4  }
0x1ab: {  	v4 =	vperm.xlane v3, v0;
	_ =	sdelay $0x1  }
0x1ac: {  	v3 =	vperm.xlane v3, v2;
	v4 =	vadd.s32 v1, v4;
	_ =	sdelay $0x1  }
0x1ad: {  	v3 =	vadd.s32 v1, v3;
	_ =	sdelay $0x2  }
0x1ae: {  	[tilespmem:s6], [sflag:$0x1] =	stream.indirect_vreg.gather [hbm4b:s2+s3], $0x80, v4, vm0, $0xb8;
	[tilespmem:$0x10400] =	vst v63  }
0x1af: {  	s28 =	simm.s32 $0x3C00  }
0x1b0: {  	[tilespmem:s28], [sflag:$0x1] =	stream.indirect_vreg.gather [hbm4b:s2+s3], $0x80, v3, vm0, $0xb8;
	[tilespmem:$0x10400] =	vst v63  }
0x1b1: {  	v3 =	vld [tilespmem:$0x240];
	_ =	sdelay $0x4  }
0x1b2: {  	v36 =	vshll.u32 v3, $0x1  }
0x1b3: {  	v3 =	vand.u32 $0x7, v3;
	v4 =	vand.u32 $0xFFFFFFF0, v36  }
0x1b4: {  	v3 =	vor.u32 v3, v4  }
0x1b5: {  	v4 =	vperm.xlane v3, v0;
	_ =	sdelay $0x1  }
0x1b6: {  	v3 =	vperm.xlane v3, v2;
	v4 =	vadd.s32 v1, v4;
	_ =	sdelay $0x1  }
0x1b7: {  	v3 =	vadd.s32 v1, v3;
	_ =	sdelay $0x2  }
0x1b8: {  	[tilespmem:s7], [sflag:$0x1] =	stream.indirect_vreg.gather [hbm4b:s2+s3], $0x80, v4, vm0, $0xb8;
	[tilespmem:$0x10400] =	vst v63  }
0x1b9: {  	s30 =	simm.s32 $0x4C00  }
0x1ba: {  	[tilespmem:s30], [sflag:$0x1] =	stream.indirect_vreg.gather [hbm4b:s2+s3], $0x80, v3, vm0, $0xb8;
	[tilespmem:$0x10400] =	vst v63  }
0x1bb: {  	v3 =	vld [tilespmem:$0x250];
	_ =	sdelay $0x4  }
0x1bc: {  	v37 =	vshll.u32 v3, $0x1  }
0x1bd: {  	v3 =	vand.u32 $0x7, v3;
	v4 =	vand.u32 $0xFFFFFFF0, v37  }
0x1be: {  	v3 =	vor.u32 v3, v4  }
0x1bf: {  	v4 =	vperm.xlane v3, v0;
	_ =	sdelay $0x1  }
0x1c0: {  	v3 =	vperm.xlane v3, v2;
	v4 =	vadd.s32 v1, v4;
	_ =	sdelay $0x1  }
0x1c1: {  	v3 =	vadd.s32 v1, v3;
	_ =	sdelay $0x1  }
0x1c2: {  	s28 =	simm.s32 $0x5400  }
0x1c3: {  	[tilespmem:s28], [sflag:$0x1] =	stream.indirect_vreg.gather [hbm4b:s2+s3], $0x80, v4, vm0, $0xb8;
	[tilespmem:$0x10400] =	vst v63  }
0x1c4: {  	s30 =	simm.s32 $0x5C00  }
0x1c5: {  	[tilespmem:s30], [sflag:$0x1] =	stream.indirect_vreg.gather [hbm4b:s2+s3], $0x80, v3, vm0, $0xb8;
	[tilespmem:$0x10400] =	vst v63  }
0x1c6: {  	v3 =	vld [tilespmem:$0x260];
	_ =	sdelay $0x4  }
0x1c7: {  	v38 =	vshll.u32 v3, $0x1  }
0x1c8: {  	v3 =	vand.u32 $0x7, v3;
	v4 =	vand.u32 $0xFFFFFFF0, v38  }
0x1c9: {  	v3 =	vor.u32 v3, v4  }
0x1ca: {  	v4 =	vperm.xlane v3, v0;
	_ =	sdelay $0x1  }
0x1cb: {  	v3 =	vperm.xlane v3, v2;
	v4 =	vadd.s32 v1, v4;
	_ =	sdelay $0x1  }
0x1cc: {  	v3 =	vadd.s32 v1, v3;
	_ =	sdelay $0x2  }
0x1cd: {  	[tilespmem:s9], [sflag:$0x1] =	stream.indirect_vreg.gather [hbm4b:s2+s3], $0x80, v4, vm0, $0xb8;
	[tilespmem:$0x10400] =	vst v63  }
0x1ce: {  	_ = 	snop  }
0x1cf: {  	[tilespmem:s10], [sflag:$0x1] =	stream.indirect_vreg.gather [hbm4b:s2+s3], $0x80, v3, vm0, $0xb8;
	[tilespmem:$0x10400] =	vst v63  }
0x1d0: {  	v3 =	vld [tilespmem:$0x270];
	_ =	sdelay $0x4  }
0x1d1: {  	v39 =	vshll.u32 v3, $0x1  }
0x1d2: {  	v3 =	vand.u32 $0x7, v3;
	v4 =	vand.u32 $0xFFFFFFF0, v39  }
0x1d3: {  	v3 =	vor.u32 v3, v4  }
0x1d4: {  	v4 =	vperm.xlane v3, v0;
	_ =	sdelay $0x1  }
0x1d5: {  	v3 =	vperm.xlane v3, v2;
	v4 =	vadd.s32 v1, v4;
	_ =	sdelay $0x1  }
0x1d6: {  	v3 =	vadd.s32 v1, v3;
	_ =	sdelay $0x2  }
0x1d7: {  	[tilespmem:s8], [sflag:$0x1] =	stream.indirect_vreg.gather [hbm4b:s2+s3], $0x80, v4, vm0, $0xb8;
	[tilespmem:$0x10400] =	vst v63  }
0x1d8: {  	_ = 	snop  }
0x1d9: {  	[tilespmem:s31], [sflag:$0x1] =	stream.indirect_vreg.gather [hbm4b:s2+s3], $0x80, v3, vm0, $0xb8;
	[tilespmem:$0x10400] =	vst v63  }
0x1da: {  	_ =	swait.ge [sflag:s15], $0x8000  }
0x1db: {  	[sflag:s15] =	ssyncset.done $0x0  }
0x1dc: {  	s31 =	rddreg [dreg:$0x8];
	[sflag:s15] =	ssyncadd.s32 $0xFFFF8000  }
0x1dd: {  	[hbm4b:s31+s12] =	stream.strided.scatter [tilespmem:s22], [sflag:$0x4], $0x8000, s13, s12, $0x38;
	[tilespmem:$0x10400] =	vst v63  }
0x1de: {  	_ =	swait.ge [sflag:s16], $0x8000  }
0x1df: {  	[sflag:s16] =	ssyncset.done $0x0  }
0x1e0: {  	[sflag:s16] =	ssyncadd.s32 $0xFFFF8000  }
0x1e1: {  	v3 =	vld [tilespmem:$0x280];
	_ =	sdelay $0x4  }
0x1e2: {  	v40 =	vshll.u32 v3, $0x1  }
0x1e3: {  	v3 =	vand.u32 $0x7, v3;
	v4 =	vand.u32 $0xFFFFFFF0, v40  }
0x1e4: {  	v3 =	vor.u32 v3, v4  }
0x1e5: {  	v4 =	vperm.xlane v3, v0;
	_ =	sdelay $0x1  }
0x1e6: {  	v3 =	vperm.xlane v3, v2;
	v4 =	vadd.s32 v1, v4;
	_ =	sdelay $0x1  }
0x1e7: {  	v3 =	vadd.s32 v1, v3;
	_ =	sdelay $0x2  }
0x1e8: {  	[tilespmem:s22], [sflag:$0x2] =	stream.indirect_vreg.gather [hbm4b:s2+s3], $0x80, v4, vm0, $0xb8;
	[tilespmem:$0x10400] =	vst v63  }
0x1e9: {  	_ = 	snop  }
0x1ea: {  	[tilespmem:s1], [sflag:$0x2] =	stream.indirect_vreg.gather [hbm4b:s2+s3], $0x80, v3, vm0, $0xb8;
	[tilespmem:$0x10400] =	vst v63  }
0x1eb: {  	v3 =	vld [tilespmem:$0x290];
	_ =	sdelay $0x4  }
0x1ec: {  	v41 =	vshll.u32 v3, $0x1  }
0x1ed: {  	v3 =	vand.u32 $0x7, v3;
	v4 =	vand.u32 $0xFFFFFFF0, v41  }
0x1ee: {  	v3 =	vor.u32 v3, v4  }
0x1ef: {  	v4 =	vperm.xlane v3, v0;
	_ =	sdelay $0x1  }
0x1f0: {  	v3 =	vperm.xlane v3, v2;
	v4 =	vadd.s32 v1, v4;
	_ =	sdelay $0x1  }
0x1f1: {  	v3 =	vadd.s32 v1, v3;
	_ =	sdelay $0x2  }
0x1f2: {  	[tilespmem:s0], [sflag:$0x2] =	stream.indirect_vreg.gather [hbm4b:s2+s3], $0x80, v4, vm0, $0xb8;
	[tilespmem:$0x10400] =	vst v63  }
0x1f3: {  	_ = 	snop  }
0x1f4: {  	[tilespmem:s5], [sflag:$0x2] =	stream.indirect_vreg.gather [hbm4b:s2+s3], $0x80, v3, vm0, $0xb8;
	[tilespmem:$0x10400] =	vst v63  }
0x1f5: {  	v3 =	vld [tilespmem:$0x2A0];
	_ =	sdelay $0x4  }
0x1f6: {  	v42 =	vshll.u32 v3, $0x1  }
0x1f7: {  	v3 =	vand.u32 $0x7, v3;
	v4 =	vand.u32 $0xFFFFFFF0, v42  }
0x1f8: {  	v3 =	vor.u32 v3, v4  }
0x1f9: {  	v4 =	vperm.xlane v3, v0;
	_ =	sdelay $0x1  }
0x1fa: {  	v3 =	vperm.xlane v3, v2;
	v4 =	vadd.s32 v1, v4;
	_ =	sdelay $0x1  }
0x1fb: {  	v3 =	vadd.s32 v1, v3;
	_ =	sdelay $0x1  }
0x1fc: {  	s26 =	simm.s32 $0xA400  }
0x1fd: {  	[tilespmem:s26], [sflag:$0x2] =	stream.indirect_vreg.gather [hbm4b:s2+s3], $0x80, v4, vm0, $0xb8;
	[tilespmem:$0x10400] =	vst v63  }
0x1fe: {  	s29 =	simm.s32 $0xAC00  }
0x1ff: {  	[tilespmem:s29], [sflag:$0x2] =	stream.indirect_vreg.gather [hbm4b:s2+s3], $0x80, v3, vm0, $0xb8;
	[tilespmem:$0x10400] =	vst v63  }
0x200: {  	v3 =	vld [tilespmem:$0x2B0];
	_ =	sdelay $0x4  }
0x201: {  	v43 =	vshll.u32 v3, $0x1  }
0x202: {  	v3 =	vand.u32 $0x7, v3;
	v4 =	vand.u32 $0xFFFFFFF0, v43  }
0x203: {  	v3 =	vor.u32 v3, v4  }
0x204: {  	v4 =	vperm.xlane v3, v0;
	_ =	sdelay $0x1  }
0x205: {  	v3 =	vperm.xlane v3, v2;
	v4 =	vadd.s32 v1, v4;
	_ =	sdelay $0x1  }
0x206: {  	v3 =	vadd.s32 v1, v3;
	_ =	sdelay $0x1  }
0x207: {  	s18 =	simm.s32 $0xB400  }
0x208: {  	[tilespmem:s18], [sflag:$0x2] =	stream.indirect_vreg.gather [hbm4b:s2+s3], $0x80, v4, vm0, $0xb8;
	[tilespmem:$0x10400] =	vst v63  }
0x209: {  	s18 =	simm.s32 $0xBC00  }
0x20a: {  	[tilespmem:s18], [sflag:$0x2] =	stream.indirect_vreg.gather [hbm4b:s2+s3], $0x80, v3, vm0, $0xb8;
	[tilespmem:$0x10400] =	vst v63  }
0x20b: {  	v3 =	vld [tilespmem:$0x2C0];
	_ =	sdelay $0x4  }
0x20c: {  	v44 =	vshll.u32 v3, $0x1  }
0x20d: {  	v3 =	vand.u32 $0x7, v3;
	v4 =	vand.u32 $0xFFFFFFF0, v44  }
0x20e: {  	v3 =	vor.u32 v3, v4  }
0x20f: {  	v4 =	vperm.xlane v3, v0;
	_ =	sdelay $0x1  }
0x210: {  	v3 =	vperm.xlane v3, v2;
	v4 =	vadd.s32 v1, v4;
	_ =	sdelay $0x1  }
0x211: {  	v3 =	vadd.s32 v1, v3;
	_ =	sdelay $0x1  }
0x212: {  	s19 =	simm.s32 $0xC400  }
0x213: {  	[tilespmem:s19], [sflag:$0x2] =	stream.indirect_vreg.gather [hbm4b:s2+s3], $0x80, v4, vm0, $0xb8;
	[tilespmem:$0x10400] =	vst v63  }
0x214: {  	s19 =	simm.s32 $0xCC00  }
0x215: {  	[tilespmem:s19], [sflag:$0x2] =	stream.indirect_vreg.gather [hbm4b:s2+s3], $0x80, v3, vm0, $0xb8;
	[tilespmem:$0x10400] =	vst v63  }
0x216: {  	v3 =	vld [tilespmem:$0x2D0];
	_ =	sdelay $0x4  }
0x217: {  	v45 =	vshll.u32 v3, $0x1  }
0x218: {  	v3 =	vand.u32 $0x7, v3;
	v4 =	vand.u32 $0xFFFFFFF0, v45  }
0x219: {  	v3 =	vor.u32 v3, v4  }
0x21a: {  	v4 =	vperm.xlane v3, v0;
	_ =	sdelay $0x1  }
0x21b: {  	v3 =	vperm.xlane v3, v2;
	v4 =	vadd.s32 v1, v4;
	_ =	sdelay $0x1  }
0x21c: {  	v3 =	vadd.s32 v1, v3;
	_ =	sdelay $0x1  }
0x21d: {  	s20 =	simm.s32 $0xD400  }
0x21e: {  	[tilespmem:s20], [sflag:$0x2] =	stream.indirect_vreg.gather [hbm4b:s2+s3], $0x80, v4, vm0, $0xb8;
	[tilespmem:$0x10400] =	vst v63  }
0x21f: {  	s20 =	simm.s32 $0xDC00  }
0x220: {  	[tilespmem:s20], [sflag:$0x2] =	stream.indirect_vreg.gather [hbm4b:s2+s3], $0x80, v3, vm0, $0xb8;
	[tilespmem:$0x10400] =	vst v63  }
0x221: {  	v3 =	vld [tilespmem:$0x2E0];
	_ =	sdelay $0x4  }
0x222: {  	v46 =	vshll.u32 v3, $0x1  }
0x223: {  	v3 =	vand.u32 $0x7, v3;
	v4 =	vand.u32 $0xFFFFFFF0, v46  }
0x224: {  	v3 =	vor.u32 v3, v4  }
0x225: {  	v4 =	vperm.xlane v3, v0;
	_ =	sdelay $0x1  }
0x226: {  	v3 =	vperm.xlane v3, v2;
	v4 =	vadd.s32 v1, v4;
	_ =	sdelay $0x1  }
0x227: {  	v3 =	vadd.s32 v1, v3;
	_ =	sdelay $0x1  }
0x228: {  	s21 =	simm.s32 $0xE400  }
0x229: {  	[tilespmem:s21], [sflag:$0x2] =	stream.indirect_vreg.gather [hbm4b:s2+s3], $0x80, v4, vm0, $0xb8;
	[tilespmem:$0x10400] =	vst v63  }
0x22a: {  	s21 =	simm.s32 $0xEC00  }
0x22b: {  	[tilespmem:s21], [sflag:$0x2] =	stream.indirect_vreg.gather [hbm4b:s2+s3], $0x80, v3, vm0, $0xb8;
	[tilespmem:$0x10400] =	vst v63  }
0x22c: {  	v3 =	vld [tilespmem:$0x2F0];
	_ =	sdelay $0x4  }
0x22d: {  	v47 =	vshll.u32 v3, $0x1  }
0x22e: {  	v3 =	vand.u32 $0x7, v3;
	v4 =	vand.u32 $0xFFFFFFF0, v47  }
0x22f: {  	v3 =	vor.u32 v3, v4  }
0x230: {  	v4 =	vperm.xlane v3, v0;
	_ =	sdelay $0x1  }
0x231: {  	v3 =	vperm.xlane v3, v2;
	v4 =	vadd.s32 v1, v4;
	_ =	sdelay $0x1  }
0x232: {  	v3 =	vadd.s32 v1, v3;
	_ =	sdelay $0x1  }
0x233: {  	s23 =	simm.s32 $0xF400  }
0x234: {  	[tilespmem:s23], [sflag:$0x2] =	stream.indirect_vreg.gather [hbm4b:s2+s3], $0x80, v4, vm0, $0xb8;
	[tilespmem:$0x10400] =	vst v63  }
0x235: {  	s23 =	simm.s32 $0xFC00  }
0x236: {  	[tilespmem:s23], [sflag:$0x2] =	stream.indirect_vreg.gather [hbm4b:s2+s3], $0x80, v3, vm0, $0xb8;
	[tilespmem:$0x10400] =	vst v63  }
0x237: {  	_ =	swait.ge [sflag:s11], $0x8000  }
0x238: {  	[sflag:s11] =	ssyncset.done $0x0  }
0x239: {  	s17 =	rddreg [dreg:$0x9];
	[sflag:s11] =	ssyncadd.s32 $0xFFFF8000  }
0x23a: {  	[hbm4b:s17+s12] =	stream.strided.scatter [tilespmem:s25], [sflag:$0x3], $0x8000, s13, s12, $0x38;
	[tilespmem:$0x10400] =	vst v63  }
0x23b: {  	_ =	swait.ge [sflag:s14], $0x8000  }
0x23c: {  	[sflag:s14] =	ssyncset.done $0x0  }
0x23d: {  	[sflag:s14] =	ssyncadd.s32 $0xFFFF8000  }
0x23e: {  	v3 =	vld [tilespmem:$0x300];
	_ =	sdelay $0x4  }
0x23f: {  	v48 =	vshll.u32 v3, $0x1  }
0x240: {  	v3 =	vand.u32 $0x7, v3;
	v4 =	vand.u32 $0xFFFFFFF0, v48  }
0x241: {  	v3 =	vor.u32 v3, v4  }
0x242: {  	v4 =	vperm.xlane v3, v0;
	_ =	sdelay $0x1  }
0x243: {  	v3 =	vperm.xlane v3, v2;
	v4 =	vadd.s32 v1, v4;
	_ =	sdelay $0x1  }
0x244: {  	v3 =	vadd.s32 v1, v3;
	_ =	sdelay $0x2  }
0x245: {  	[tilespmem:s25], [sflag:$0x1] =	stream.indirect_vreg.gather [hbm4b:s2+s3], $0x80, v4, vm0, $0xb8;
	[tilespmem:$0x10400] =	vst v63  }
0x246: {  	s17 =	simm.s32 $0xC00  }
0x247: {  	[tilespmem:s17], [sflag:$0x1] =	stream.indirect_vreg.gather [hbm4b:s2+s3], $0x80, v3, vm0, $0xb8;
	[tilespmem:$0x10400] =	vst v63  }
0x248: {  	v3 =	vld [tilespmem:$0x310];
	_ =	sdelay $0x4  }
0x249: {  	v49 =	vshll.u32 v3, $0x1  }
0x24a: {  	v3 =	vand.u32 $0x7, v3;
	v4 =	vand.u32 $0xFFFFFFF0, v49  }
0x24b: {  	v3 =	vor.u32 v3, v4  }
0x24c: {  	v4 =	vperm.xlane v3, v0;
	_ =	sdelay $0x1  }
0x24d: {  	v3 =	vperm.xlane v3, v2;
	v4 =	vadd.s32 v1, v4;
	_ =	sdelay $0x1  }
0x24e: {  	v3 =	vadd.s32 v1, v3;
	_ =	sdelay $0x1  }
0x24f: {  	s17 =	simm.s32 $0x1400  }
0x250: {  	[tilespmem:s17], [sflag:$0x1] =	stream.indirect_vreg.gather [hbm4b:s2+s3], $0x80, v4, vm0, $0xb8;
	[tilespmem:$0x10400] =	vst v63  }
0x251: {  	s17 =	simm.s32 $0x1C00  }
0x252: {  	[tilespmem:s17], [sflag:$0x1] =	stream.indirect_vreg.gather [hbm4b:s2+s3], $0x80, v3, vm0, $0xb8;
	[tilespmem:$0x10400] =	vst v63  }
0x253: {  	v3 =	vld [tilespmem:$0x320];
	_ =	sdelay $0x4  }
0x254: {  	v50 =	vshll.u32 v3, $0x1  }
0x255: {  	v3 =	vand.u32 $0x7, v3;
	v4 =	vand.u32 $0xFFFFFFF0, v50  }
0x256: {  	v3 =	vor.u32 v3, v4  }
0x257: {  	v4 =	vperm.xlane v3, v0;
	_ =	sdelay $0x1  }
0x258: {  	v3 =	vperm.xlane v3, v2;
	v4 =	vadd.s32 v1, v4;
	_ =	sdelay $0x1  }
0x259: {  	v3 =	vadd.s32 v1, v3;
	_ =	sdelay $0x1  }
0x25a: {  	s17 =	simm.s32 $0x2400  }
0x25b: {  	[tilespmem:s17], [sflag:$0x1] =	stream.indirect_vreg.gather [hbm4b:s2+s3], $0x80, v4, vm0, $0xb8;
	[tilespmem:$0x10400] =	vst v63  }
0x25c: {  	s24 =	simm.s32 $0x2C00  }
0x25d: {  	[tilespmem:s24], [sflag:$0x1] =	stream.indirect_vreg.gather [hbm4b:s2+s3], $0x80, v3, vm0, $0xb8;
	[tilespmem:$0x10400] =	vst v63  }
0x25e: {  	v3 =	vld [tilespmem:$0x330];
	_ =	sdelay $0x4  }
0x25f: {  	v51 =	vshll.u32 v3, $0x1  }
0x260: {  	v3 =	vand.u32 $0x7, v3;
	v4 =	vand.u32 $0xFFFFFFF0, v51  }
0x261: {  	v3 =	vor.u32 v3, v4  }
0x262: {  	v4 =	vperm.xlane v3, v0;
	_ =	sdelay $0x1  }
0x263: {  	v3 =	vperm.xlane v3, v2;
	v4 =	vadd.s32 v1, v4;
	_ =	sdelay $0x1  }
0x264: {  	v3 =	vadd.s32 v1, v3;
	_ =	sdelay $0x1  }
0x265: {  	s6 =	simm.s32 $0x3400  }
0x266: {  	[tilespmem:s6], [sflag:$0x1] =	stream.indirect_vreg.gather [hbm4b:s2+s3], $0x80, v4, vm0, $0xb8;
	[tilespmem:$0x10400] =	vst v63  }
0x267: {  	s17 =	simm.s32 $0x3C00  }
0x268: {  	[tilespmem:s17], [sflag:$0x1] =	stream.indirect_vreg.gather [hbm4b:s2+s3], $0x80, v3, vm0, $0xb8;
	[tilespmem:$0x10400] =	vst v63  }
0x269: {  	v3 =	vld [tilespmem:$0x340];
	_ =	sdelay $0x4  }
0x26a: {  	v52 =	vshll.u32 v3, $0x1  }
0x26b: {  	v3 =	vand.u32 $0x7, v3;
	v4 =	vand.u32 $0xFFFFFFF0, v52  }
0x26c: {  	v3 =	vor.u32 v3, v4  }
0x26d: {  	v4 =	vperm.xlane v3, v0;
	_ =	sdelay $0x1  }
0x26e: {  	v3 =	vperm.xlane v3, v2;
	v4 =	vadd.s32 v1, v4;
	_ =	sdelay $0x1  }
0x26f: {  	v3 =	vadd.s32 v1, v3;
	_ =	sdelay $0x1  }
0x270: {  	s7 =	simm.s32 $0x4400  }
0x271: {  	[tilespmem:s7], [sflag:$0x1] =	stream.indirect_vreg.gather [hbm4b:s2+s3], $0x80, v4, vm0, $0xb8;
	[tilespmem:$0x10400] =	vst v63  }
0x272: {  	s24 =	simm.s32 $0x4C00  }
0x273: {  	[tilespmem:s24], [sflag:$0x1] =	stream.indirect_vreg.gather [hbm4b:s2+s3], $0x80, v3, vm0, $0xb8;
	[tilespmem:$0x10400] =	vst v63  }
0x274: {  	v3 =	vld [tilespmem:$0x350];
	_ =	sdelay $0x4  }
0x275: {  	v53 =	vshll.u32 v3, $0x1  }
0x276: {  	v3 =	vand.u32 $0x7, v3;
	v4 =	vand.u32 $0xFFFFFFF0, v53  }
0x277: {  	v3 =	vor.u32 v3, v4  }
0x278: {  	v4 =	vperm.xlane v3, v0;
	_ =	sdelay $0x1  }
0x279: {  	v3 =	vperm.xlane v3, v2;
	v4 =	vadd.s32 v1, v4;
	_ =	sdelay $0x1  }
0x27a: {  	v3 =	vadd.s32 v1, v3;
	_ =	sdelay $0x1  }
0x27b: {  	s7 =	simm.s32 $0x5400  }
0x27c: {  	[tilespmem:s7], [sflag:$0x1] =	stream.indirect_vreg.gather [hbm4b:s2+s3], $0x80, v4, vm0, $0xb8;
	[tilespmem:$0x10400] =	vst v63  }
0x27d: {  	s17 =	simm.s32 $0x5C00  }
0x27e: {  	[tilespmem:s17], [sflag:$0x1] =	stream.indirect_vreg.gather [hbm4b:s2+s3], $0x80, v3, vm0, $0xb8;
	[tilespmem:$0x10400] =	vst v63  }
0x27f: {  	v3 =	vld [tilespmem:$0x360];
	_ =	sdelay $0x4  }
0x280: {  	v54 =	vshll.u32 v3, $0x1  }
0x281: {  	v3 =	vand.u32 $0x7, v3;
	v4 =	vand.u32 $0xFFFFFFF0, v54  }
0x282: {  	v3 =	vor.u32 v3, v4  }
0x283: {  	v4 =	vperm.xlane v3, v0;
	_ =	sdelay $0x1  }
0x284: {  	v3 =	vperm.xlane v3, v2;
	v4 =	vadd.s32 v1, v4;
	_ =	sdelay $0x1  }
0x285: {  	v3 =	vadd.s32 v1, v3;
	_ =	sdelay $0x1  }
0x286: {  	s9 =	simm.s32 $0x6400  }
0x287: {  	[tilespmem:s9], [sflag:$0x1] =	stream.indirect_vreg.gather [hbm4b:s2+s3], $0x80, v4, vm0, $0xb8;
	[tilespmem:$0x10400] =	vst v63  }
0x288: {  	s10 =	simm.s32 $0x6C00  }
0x289: {  	[tilespmem:s10], [sflag:$0x1] =	stream.indirect_vreg.gather [hbm4b:s2+s3], $0x80, v3, vm0, $0xb8;
	[tilespmem:$0x10400] =	vst v63  }
0x28a: {  	v3 =	vld [tilespmem:$0x370];
	_ =	sdelay $0x4  }
0x28b: {  	v55 =	vshll.u32 v3, $0x1  }
0x28c: {  	v3 =	vand.u32 $0x7, v3;
	v4 =	vand.u32 $0xFFFFFFF0, v55  }
0x28d: {  	v3 =	vor.u32 v3, v4  }
0x28e: {  	v4 =	vperm.xlane v3, v0;
	_ =	sdelay $0x1  }
0x28f: {  	v3 =	vperm.xlane v3, v2;
	v4 =	vadd.s32 v1, v4;
	_ =	sdelay $0x1  }
0x290: {  	v3 =	vadd.s32 v1, v3;
	_ =	sdelay $0x1  }
0x291: {  	s8 =	simm.s32 $0x7400  }
0x292: {  	[tilespmem:s8], [sflag:$0x1] =	stream.indirect_vreg.gather [hbm4b:s2+s3], $0x80, v4, vm0, $0xb8;
	[tilespmem:$0x10400] =	vst v63  }
0x293: {  	s28 =	simm.s32 $0x7C00  }
0x294: {  	[tilespmem:s28], [sflag:$0x1] =	stream.indirect_vreg.gather [hbm4b:s2+s3], $0x80, v3, vm0, $0xb8;
	[tilespmem:$0x10400] =	vst v63  }
0x295: {  	_ =	swait.ge [sflag:s15], $0x8000  }
0x296: {  	[sflag:s15] =	ssyncset.done $0x0  }
0x297: {  	s24 =	rddreg [dreg:$0xa];
	[sflag:s15] =	ssyncadd.s32 $0xFFFF8000  }
0x298: {  	[hbm4b:s24+s12] =	stream.strided.scatter [tilespmem:s22], [sflag:$0x4], $0x8000, s13, s12, $0x38;
	[tilespmem:$0x10400] =	vst v63  }
0x299: {  	_ =	swait.ge [sflag:s16], $0x8000  }
0x29a: {  	[sflag:s16] =	ssyncset.done $0x0  }
0x29b: {  	[sflag:s16] =	ssyncadd.s32 $0xFFFF8000  }
0x29c: {  	v3 =	vld [tilespmem:$0x380];
	_ =	sdelay $0x4  }
0x29d: {  	v56 =	vshll.u32 v3, $0x1  }
0x29e: {  	v3 =	vand.u32 $0x7, v3;
	v4 =	vand.u32 $0xFFFFFFF0, v56  }
0x29f: {  	v3 =	vor.u32 v3, v4  }
0x2a0: {  	v4 =	vperm.xlane v3, v0;
	_ =	sdelay $0x1  }
0x2a1: {  	v3 =	vperm.xlane v3, v2;
	v4 =	vadd.s32 v1, v4;
	_ =	sdelay $0x1  }
0x2a2: {  	v3 =	vadd.s32 v1, v3;
	_ =	sdelay $0x2  }
0x2a3: {  	[tilespmem:s22], [sflag:$0x2] =	stream.indirect_vreg.gather [hbm4b:s2+s3], $0x80, v4, vm0, $0xb8;
	[tilespmem:$0x10400] =	vst v63  }
0x2a4: {  	s1 =	simm.s32 $0x8C00  }
0x2a5: {  	[tilespmem:s1], [sflag:$0x2] =	stream.indirect_vreg.gather [hbm4b:s2+s3], $0x80, v3, vm0, $0xb8;
	[tilespmem:$0x10400] =	vst v63  }
0x2a6: {  	v3 =	vld [tilespmem:$0x390];
	_ =	sdelay $0x4  }
0x2a7: {  	v57 =	vshll.u32 v3, $0x1  }
0x2a8: {  	v3 =	vand.u32 $0x7, v3;
	v4 =	vand.u32 $0xFFFFFFF0, v57  }
0x2a9: {  	v3 =	vor.u32 v3, v4  }
0x2aa: {  	v4 =	vperm.xlane v3, v0;
	_ =	sdelay $0x1  }
0x2ab: {  	v3 =	vperm.xlane v3, v2;
	v4 =	vadd.s32 v1, v4;
	_ =	sdelay $0x1  }
0x2ac: {  	v3 =	vadd.s32 v1, v3;
	_ =	sdelay $0x1  }
0x2ad: {  	s0 =	simm.s32 $0x9400  }
0x2ae: {  	[tilespmem:s0], [sflag:$0x2] =	stream.indirect_vreg.gather [hbm4b:s2+s3], $0x80, v4, vm0, $0xb8;
	[tilespmem:$0x10400] =	vst v63  }
0x2af: {  	s5 =	simm.s32 $0x9C00  }
0x2b0: {  	[tilespmem:s5], [sflag:$0x2] =	stream.indirect_vreg.gather [hbm4b:s2+s3], $0x80, v3, vm0, $0xb8;
	[tilespmem:$0x10400] =	vst v63  }
0x2b1: {  	v3 =	vld [tilespmem:$0x3A0];
	_ =	sdelay $0x4  }
0x2b2: {  	v58 =	vshll.u32 v3, $0x1  }
0x2b3: {  	v3 =	vand.u32 $0x7, v3;
	v4 =	vand.u32 $0xFFFFFFF0, v58  }
0x2b4: {  	v3 =	vor.u32 v3, v4  }
0x2b5: {  	v4 =	vperm.xlane v3, v0;
	_ =	sdelay $0x1  }
0x2b6: {  	v3 =	vperm.xlane v3, v2;
	v4 =	vadd.s32 v1, v4;
	_ =	sdelay $0x1  }
0x2b7: {  	v3 =	vadd.s32 v1, v3;
	_ =	sdelay $0x1  }
0x2b8: {  	s31 =	simm.s32 $0xA400  }
0x2b9: {  	[tilespmem:s31], [sflag:$0x2] =	stream.indirect_vreg.gather [hbm4b:s2+s3], $0x80, v4, vm0, $0xb8;
	[tilespmem:$0x10400] =	vst v63  }
0x2ba: {  	s26 =	simm.s32 $0xAC00  }
0x2bb: {  	[tilespmem:s26], [sflag:$0x2] =	stream.indirect_vreg.gather [hbm4b:s2+s3], $0x80, v3, vm0, $0xb8;
	[tilespmem:$0x10400] =	vst v63  }
0x2bc: {  	v3 =	vld [tilespmem:$0x3B0];
	_ =	sdelay $0x4  }
0x2bd: {  	v59 =	vshll.u32 v3, $0x1  }
0x2be: {  	v3 =	vand.u32 $0x7, v3;
	v4 =	vand.u32 $0xFFFFFFF0, v59  }
0x2bf: {  	v3 =	vor.u32 v3, v4  }
0x2c0: {  	v4 =	vperm.xlane v3, v0;
	_ =	sdelay $0x1  }
0x2c1: {  	v3 =	vperm.xlane v3, v2;
	v4 =	vadd.s32 v1, v4;
	_ =	sdelay $0x1  }
0x2c2: {  	v3 =	vadd.s32 v1, v3;
	_ =	sdelay $0x1  }
0x2c3: {  	s30 =	simm.s32 $0xB400  }
0x2c4: {  	[tilespmem:s30], [sflag:$0x2] =	stream.indirect_vreg.gather [hbm4b:s2+s3], $0x80, v4, vm0, $0xb8;
	[tilespmem:$0x10400] =	vst v63  }
0x2c5: {  	s29 =	simm.s32 $0xBC00  }
0x2c6: {  	[tilespmem:s29], [sflag:$0x2] =	stream.indirect_vreg.gather [hbm4b:s2+s3], $0x80, v3, vm0, $0xb8;
	[tilespmem:$0x10400] =	vst v63  }
0x2c7: {  	v3 =	vld [tilespmem:$0x3C0];
	_ =	sdelay $0x4  }
0x2c8: {  	v60 =	vshll.u32 v3, $0x1  }
0x2c9: {  	v3 =	vand.u32 $0x7, v3;
	v4 =	vand.u32 $0xFFFFFFF0, v60  }
0x2ca: {  	v3 =	vor.u32 v3, v4  }
0x2cb: {  	v4 =	vperm.xlane v3, v0;
	_ =	sdelay $0x1  }
0x2cc: {  	v3 =	vperm.xlane v3, v2;
	v4 =	vadd.s32 v1, v4;
	_ =	sdelay $0x1  }
0x2cd: {  	v3 =	vadd.s32 v1, v3;
	_ =	sdelay $0x1  }
0x2ce: {  	s18 =	simm.s32 $0xC400  }
0x2cf: {  	[tilespmem:s18], [sflag:$0x2] =	stream.indirect_vreg.gather [hbm4b:s2+s3], $0x80, v4, vm0, $0xb8;
	[tilespmem:$0x10400] =	vst v63  }
0x2d0: {  	s26 =	simm.s32 $0xCC00  }
0x2d1: {  	[tilespmem:s26], [sflag:$0x2] =	stream.indirect_vreg.gather [hbm4b:s2+s3], $0x80, v3, vm0, $0xb8;
	[tilespmem:$0x10400] =	vst v63  }
0x2d2: {  	v3 =	vld [tilespmem:$0x3D0];
	_ =	sdelay $0x4  }
0x2d3: {  	v61 =	vshll.u32 v3, $0x1  }
0x2d4: {  	v3 =	vand.u32 $0x7, v3;
	v4 =	vand.u32 $0xFFFFFFF0, v61  }
0x2d5: {  	v3 =	vor.u32 v3, v4  }
0x2d6: {  	v4 =	vperm.xlane v3, v0;
	_ =	sdelay $0x1  }
0x2d7: {  	v3 =	vperm.xlane v3, v2;
	v4 =	vadd.s32 v1, v4;
	_ =	sdelay $0x1  }
0x2d8: {  	v3 =	vadd.s32 v1, v3;
	_ =	sdelay $0x1  }
0x2d9: {  	s19 =	simm.s32 $0xD400  }
0x2da: {  	[tilespmem:s19], [sflag:$0x2] =	stream.indirect_vreg.gather [hbm4b:s2+s3], $0x80, v4, vm0, $0xb8;
	[tilespmem:$0x10400] =	vst v63  }
0x2db: {  	s28 =	simm.s32 $0xDC00  }
0x2dc: {  	[tilespmem:s28], [sflag:$0x2] =	stream.indirect_vreg.gather [hbm4b:s2+s3], $0x80, v3, vm0, $0xb8;
	[tilespmem:$0x10400] =	vst v63  }
0x2dd: {  	v3 =	vld [tilespmem:$0x3E0];
	_ =	sdelay $0x4  }
0x2de: {  	v62 =	vshll.u32 v3, $0x1  }
0x2df: {  	v3 =	vand.u32 $0x7, v3;
	v4 =	vand.u32 $0xFFFFFFF0, v62  }
0x2e0: {  	v3 =	vor.u32 v3, v4  }
0x2e1: {  	v4 =	vperm.xlane v3, v0;
	_ =	sdelay $0x1  }
0x2e2: {  	v3 =	vperm.xlane v3, v2;
	v4 =	vadd.s32 v1, v4;
	_ =	sdelay $0x1  }
0x2e3: {  	v3 =	vadd.s32 v1, v3;
	_ =	sdelay $0x1  }
0x2e4: {  	s20 =	simm.s32 $0xE400  }
0x2e5: {  	[tilespmem:s20], [sflag:$0x2] =	stream.indirect_vreg.gather [hbm4b:s2+s3], $0x80, v4, vm0, $0xb8;
	[tilespmem:$0x10400] =	vst v63  }
0x2e6: {  	s29 =	simm.s32 $0xEC00  }
0x2e7: {  	[tilespmem:s29], [sflag:$0x2] =	stream.indirect_vreg.gather [hbm4b:s2+s3], $0x80, v3, vm0, $0xb8;
	[tilespmem:$0x10400] =	vst v63  }
0x2e8: {  	v3 =	vld [tilespmem:$0x3F0];
	_ =	sdelay $0x4  }
0x2e9: {  	v63 =	vshll.u32 v3, $0x1  }
0x2ea: {  	v3 =	vand.u32 $0x7, v3;
	v4 =	vand.u32 $0xFFFFFFF0, v63  }
0x2eb: {  	v3 =	vor.u32 v3, v4  }
0x2ec: {  	v4 =	vperm.xlane v3, v0;
	_ =	sdelay $0x1  }
0x2ed: {  	v3 =	vperm.xlane v3, v2;
	v4 =	vadd.s32 v1, v4;
	_ =	sdelay $0x1  }
0x2ee: {  	v3 =	vadd.s32 v1, v3;
	_ =	sdelay $0x1  }
0x2ef: {  	s21 =	simm.s32 $0xF400  }
0x2f0: {  	[tilespmem:s21], [sflag:$0x2] =	stream.indirect_vreg.gather [hbm4b:s2+s3], $0x80, v4, vm0, $0xb8;
	[tilespmem:$0x10400] =	vst v63  }
0x2f1: {  	s23 =	simm.s32 $0xFC00  }
0x2f2: {  	[tilespmem:s23], [sflag:$0x2] =	stream.indirect_vreg.gather [hbm4b:s2+s3], $0x80, v3, vm0, $0xb8;
	[tilespmem:$0x10400] =	vst v63  }
0x2f3: {  	_ =	swait.ge [sflag:s11], $0x8000  }
0x2f4: {  	[sflag:s11] =	ssyncset.done $0x0  }
0x2f5: {  	s30 =	rddreg [dreg:$0xb];
	[sflag:s11] =	ssyncadd.s32 $0xFFFF8000  }
0x2f6: {  	[hbm4b:s30+s12] =	stream.strided.scatter [tilespmem:s25], [sflag:$0x3], $0x8000, s13, s12, $0x38;
	[tilespmem:$0x10400] =	vst v63  }
0x2f7: {  	_ =	swait.ge [sflag:s15], $0x8000  }
0x2f8: {  	[sflag:s15] =	ssyncset.done $0x0  }
0x2f9: {  	s31 =	rddreg [dreg:$0xc];
	[sflag:s15] =	ssyncadd.s32 $0xFFFF8000  }
0x2fa: {  	[hbm4b:s31+s12] =	stream.strided.scatter [tilespmem:s22], [sflag:$0x4], $0x8000, s13, s12, $0x38;
	[tilespmem:$0x10400] =	vst v63  }
0x2fb: {  	p0 =	sne.s32 s4, $0x1;
	_ =	swait.ge [sflag:s14], $0x8000  }
.Ltmp0:
0x2fc: {  	[sflag:s14] =	ssyncset.done $0x0;
	(pc) =	sbr.rel @p0 .LBB2_1-.Ltmp0, $4  }
0x2fd: {  	[sflag:s14] =	ssyncadd.s32 $0xFFFF8000  }
0x2fe: {  	_ =	swait.ge [sflag:s16], $0x8000  }
0x2ff: {  	[sflag:s16] =	ssyncset.done $0x0  }
0x300: {  	s4 =	sadd.s32 $0xFFFFFFFF, s4;
	[sflag:s16] =	ssyncadd.s32 $0xFFFF8000  }
0x301: {  	_ =	sfence.sel $0x180000  }
0x302: {  	[bflag:$0x0] =	sbarrier.arrive $0xFFFF  }
0x303: {  	_ =	strace $0x90000047  }
0x304: {  	s0 =	stileid.u32;
	[bflag:$0x2] =	sbarrier.arrive $0xFFFF  }
0x305: {  	p0 =	sne.s32 s0, $0x0;
	s0 =	rddreg [dreg:$0x3]  }
0x306: {  	s0 =	sadd.s32 @!p0 $0x100000, s0  }
0x307: {  	[sflag:s0] =	ssyncadd.tile.s32 @!p0 $0x1;
	_ =	shalt  }
.Lfunc_end2:
_tile_overlayer_lowered:
.L_overlay_start_2:
0x308: {  	(tag) =	ssettag $0x2  }
0x309: {  	s0 =	rddreg [dreg:$0x0];
	s2 =	stileid.u32  }
0x30a: {  	s1 =	rddreg [dreg:$0x1];
	p0 =	sne.s32 s2, $0x0  }
0x30b: {  	s3 =	rddreg [dreg:$0x2];
	[bflag:$0x3] =	sbarrier.arrive $0xFFFF;
	s2 =	simm.s32 @!p0 $0x1C05  }
0x30c: {  	[timem:s3], [sflag:s2] =	dma.local @!p0 [hbm:s0], s1  }
0x30d: {  	s0 =	simm.s32 @!p0 $0x5  }
0x30e: {  	_ =	swait.ge @!p0 [sflag:s0], s1  }
0x30f: {  	s1 =	ssub.s32 @!p0 $0x0, s1;
	[sflag:s0] =	ssyncset.done @!p0 $0x0  }
0x310: {  	[sflag:s0] =	ssyncadd.s32 @!p0 s1  }
0x311: {  	[bflag:$0x3] =	sbarrier.arrive $0xFFFF  }
0x312: {  	_ =	shalt  }

</sc_bundles>
